<compile_context>
chip_gen: v7x
topology: tpu7x:2x2x1
jax: 0.10.2.dev20260603
libtpu: 0.0.44.dev20260713+nightly
codegen_flags: <defaults>
</compile_context>

<pallas_src>
import functools
import jax
import jax.numpy as jnp
from jax import lax
from jax.experimental import pallas as pl
from jax.experimental.pallas import tpu as pltpu
from jax.experimental.pallas import tpu_sc as plsc

EMBED_DIM = 128
LANES = 16
D_CHUNKS = EMBED_DIM // LANES
NUM_CORES = 2
NUM_SUBCORES = 16
NUM_WORKERS = NUM_CORES * NUM_SUBCORES
ROW_CHUNK = 128
NBUF = 3


def _make_gmf(batch):
    b_per_w = batch // NUM_WORKERS
    n_chunks = b_per_w // ROW_CHUNK
    mesh = plsc.VectorSubcoreMesh(core_axis_name="c", subcore_axis_name="s")

    @functools.partial(
        pl.kernel,
        mesh=mesh,
        compiler_params=pltpu.CompilerParams(needs_layout_passes=False),
        out_type=jax.ShapeDtypeStruct((NUM_WORKERS, b_per_w), jnp.float32),
        scratch_types=[
            pltpu.VMEM((n_chunks, ROW_CHUNK), jnp.int32),
            pltpu.VMEM((n_chunks, ROW_CHUNK), jnp.int32),
            pltpu.VMEM((NBUF, ROW_CHUNK, EMBED_DIM), jnp.float32),
            pltpu.VMEM((NBUF, ROW_CHUNK, EMBED_DIM), jnp.float32),
            pltpu.VMEM((D_CHUNKS, LANES), jnp.float32),
            pltpu.VMEM((LANES,), jnp.float32),
            pltpu.VMEM((b_per_w,), jnp.float32),
        ] + [pltpu.SemaphoreType.DMA] * (2 * NBUF + n_chunks),
    )
    def gmf(uid_hbm, iid_hbm, ut_hbm, it_hbm, w_hbm, bias_hbm, out_hbm,
            uidx_v, iidx_v, urows_v, irows_v, w_v, bias_v, out_v,
            *sems):
        sems_u = sems[:NBUF]
        sems_i = sems[NBUF:2 * NBUF]
        sems_o = sems[2 * NBUF:]
        wid = lax.axis_index("s") * NUM_CORES + lax.axis_index("c")
        cp_uidx = pltpu.async_copy(uid_hbm.at[wid], uidx_v, sems_u[0])
        cp_iidx = pltpu.async_copy(iid_hbm.at[wid], iidx_v, sems_i[0])
        cp_w = pltpu.async_copy(w_hbm, w_v, sems_u[2])
        cp_b = pltpu.async_copy(bias_hbm, bias_v, sems_i[2])
        cp_uidx.wait()
        cp_iidx.wait()

        def start_gathers(c):
            buf = c % NBUF
            cu = pltpu.async_copy(ut_hbm.at[uidx_v.at[c]], urows_v.at[buf],
                                  sems_u[buf])
            ci = pltpu.async_copy(it_hbm.at[iidx_v.at[c]], irows_v.at[buf],
                                  sems_i[buf])
            return cu, ci

        pending = {}
        for c in range(min(NBUF - 1, n_chunks)):
            pending[c] = start_gathers(c)

        cp_w.wait()
        cp_b.wait()
        bias_vec = bias_v[...]
        w_vecs = [w_v[j] for j in range(D_CHUNKS)]
        lane_iota = lax.iota(jnp.int32, LANES)
        perms = {s: lane_iota ^ s for s in (1, 2, 4, 8)}
        out_copies = []

        for c in range(n_chunks):
            buf = c % NBUF
            cu, ci = pending.pop(c)
            cu.wait()
            ci.wait()
            if c + NBUF - 1 < n_chunks:
                pending[c + NBUF - 1] = start_gathers(c + NBUF - 1)

            @plsc.parallel_loop(0, ROW_CHUNK // LANES)
            def grp_body(g, c=c, buf=buf):
                def row_body(r, vec):
                    rr = g * LANES + r
                    acc = (urows_v[buf, rr, pl.ds(0, LANES)]
                           * irows_v[buf, rr, pl.ds(0, LANES)] * w_vecs[0])
                    for j in range(1, D_CHUNKS):
                        acc = acc + (urows_v[buf, rr, pl.ds(j * LANES, LANES)]
                                     * irows_v[buf, rr, pl.ds(j * LANES, LANES)]
                                     * w_vecs[j])
                    for s in (8, 4, 2, 1):
                        acc = acc + acc.at[perms[s]].get(
                            mode="promise_in_bounds")
                    return jnp.where(lane_iota == r, acc, vec)

                vec = plsc.parallel_loop(0, LANES, 1, unroll=2,
                                         carry=bias_vec)(row_body)
                off = pl.multiple_of(c * ROW_CHUNK + g * LANES, LANES)
                out_v[pl.ds(off, LANES)] = vec

            out_copies.append(pltpu.async_copy(
                out_v.at[pl.ds(c * ROW_CHUNK, ROW_CHUNK)],
                out_hbm.at[wid, pl.ds(c * ROW_CHUNK, ROW_CHUNK)],
                sems_o[c]))

        for cp in out_copies:
            cp.wait()

    return gmf


_gmf_cached = {}


def kernel(user_ids, item_ids, user_table, item_table, W, b):
    batch = user_ids.shape[0]
    if batch not in _gmf_cached:
        _gmf_cached[batch] = _make_gmf(batch)
    gmf = _gmf_cached[batch]
    b_per_w = batch // NUM_WORKERS
    n_chunks = b_per_w // ROW_CHUNK
    uid = user_ids.astype(jnp.int32).reshape(NUM_WORKERS, n_chunks, ROW_CHUNK)
    iid = item_ids.astype(jnp.int32).reshape(NUM_WORKERS, n_chunks, ROW_CHUNK)
    w = W.reshape(D_CHUNKS, LANES)
    b16 = jnp.broadcast_to(b.reshape(()), (LANES,))
    out = gmf(uid, iid, user_table, item_table, w, b16)
    return out.reshape(batch)

# --- scband reference (transcript-rebuilt; emitter-appended) ---
"""Pipeline reference for scband-gmf-23570780520853 (READ-ONLY COPY).

The authoritative reference and input builder live on the scoring server;
editing this copy changes nothing except your own understanding.
"""

import jax, jax.numpy as jnp
import numpy as np

N_USERS = 100000
N_ITEMS = 100000
EMBED_DIM = 128
BATCH = 16384


def setup_inputs(seed: int = 0) -> dict:
    key = jax.random.key(seed)
    k1, k2, k3, k4, k5 = jax.random.split(key, 5)
    user_ids = jax.random.randint(k1, (BATCH,), 0, N_USERS, dtype=jnp.int64 if jax.config.jax_enable_x64 else jnp.int32)
    item_ids = jax.random.randint(k2, (BATCH,), 0, N_ITEMS, dtype=jnp.int64 if jax.config.jax_enable_x64 else jnp.int32)
    user_table = jax.random.normal(k3, (N_USERS, EMBED_DIM), dtype=jnp.float32) * 0.01
    item_table = jax.random.normal(k4, (N_ITEMS, EMBED_DIM), dtype=jnp.float32) * 0.01
    # xavier uniform for output layer [1, EMBED_DIM]
    limit = np.sqrt(6.0 / (EMBED_DIM + 1))
    W = jax.random.uniform(k5, (1, EMBED_DIM), dtype=jnp.float32, minval=-limit, maxval=limit)
    b = jnp.zeros((1,), dtype=jnp.float32)
    return {"user_ids": user_ids, "item_ids": item_ids, "user_table": user_table, "item_table": item_table, "W": W, "b": b}


def reference(user_ids, item_ids, user_table, item_table, W, b):
    user_embedded = jnp.take(user_table, user_ids, axis=0)   # [B, D]
    item_embedded = jnp.take(item_table, item_ids, axis=0)   # [B, D]
    element_product = user_embedded * item_embedded           # [B, D]
    prediction = element_product @ W.T + b                    # [B, 1]
    return jnp.squeeze(prediction, axis=-1)                   # [B]

if __name__ == "__main__":
    import jax
    _d = setup_inputs()
    print(jax.jit(kernel)(*tuple(_d.values())))

</pallas_src>

<mosaic_0001>
#map = affine_map<(d0, d1) -> (0, 0, 0)>
#map1 = affine_map<(d0, d1) -> (0, 0)>
#map2 = affine_map<(d0, d1) -> (0)>
module attributes {stable_mosaic.version = 14 : i64} {
  func.func @gmf(%arg0: i32, %arg1: i32, %arg2: memref<32x4x128xi32, #tpu.memory_space<hbm>>, %arg3: memref<32x4x128xi32, #tpu.memory_space<hbm>>, %arg4: memref<100000x128xf32, #tpu.memory_space<hbm>>, %arg5: memref<100000x128xf32, #tpu.memory_space<hbm>>, %arg6: memref<8x16xf32, #tpu.memory_space<hbm>>, %arg7: memref<16xf32, #tpu.memory_space<hbm>>, %arg8: memref<32x512xf32, #tpu.memory_space<hbm>>, %arg9: memref<4x128xi32, #tpu.memory_space<vmem>>, %arg10: memref<4x128xi32, #tpu.memory_space<vmem>>, %arg11: memref<3x128x128xf32, #tpu.memory_space<vmem>>, %arg12: memref<3x128x128xf32, #tpu.memory_space<vmem>>, %arg13: memref<8x16xf32, #tpu.memory_space<vmem>>, %arg14: memref<16xf32, #tpu.memory_space<vmem>>, %arg15: memref<512xf32, #tpu.memory_space<vmem>>, %arg16: memref<!tpu.dma_semaphore, #tpu.memory_space<semaphore_mem>>, %arg17: memref<!tpu.dma_semaphore, #tpu.memory_space<semaphore_mem>>, %arg18: memref<!tpu.dma_semaphore, #tpu.memory_space<semaphore_mem>>, %arg19: memref<!tpu.dma_semaphore, #tpu.memory_space<semaphore_mem>>, %arg20: memref<!tpu.dma_semaphore, #tpu.memory_space<semaphore_mem>>, %arg21: memref<!tpu.dma_semaphore, #tpu.memory_space<semaphore_mem>>, %arg22: memref<!tpu.dma_semaphore, #tpu.memory_space<semaphore_mem>>, %arg23: memref<!tpu.dma_semaphore, #tpu.memory_space<semaphore_mem>>, %arg24: memref<!tpu.dma_semaphore, #tpu.memory_space<semaphore_mem>>, %arg25: memref<!tpu.dma_semaphore, #tpu.memory_space<semaphore_mem>>) attributes {dimension_semantics = [#tpu.dimension_semantics<core_parallel>, #tpu.dimension_semantics<subcore_parallel>], iteration_bounds = array<i64: 2, 16>, scalar_prefetch = 0 : i64, scratch_operands = 17 : i64, tpu.core_type = #tpu.core_type<sc_vector_subcore>, window_params = [{transform_indices = #map}, {transform_indices = #map}, {transform_indices = #map1}, {transform_indices = #map1}, {transform_indices = #map1}, {transform_indices = #map2}, {transform_indices = #map1}]} {
    %mul3A = arith.constant 2 : i32
    %mul3A_0 = arith.muli %arg1, %mul3A : i32
    %add3A = arith.addi %mul3A_0, %arg0 : i32
    %dma_start3A = arith.constant 0 : i32
    %dma_start3A_1 = arith.constant 0 : i32
    %dma_start3A_2 = tpu.memref_slice %arg2[%add3A, %dma_start3A, %dma_start3A_1] : memref<32x4x128xi32, #tpu.memory_space<hbm>> -> memref<1x4x128xi32, #tpu.memory_space<hbm>>
    %dma_start3A_3 = tpu.memref_squeeze %dma_start3A_2 : memref<1x4x128xi32, #tpu.memory_space<hbm>> -> memref<4x128xi32, #tpu.memory_space<hbm>>
    %dma_start3A_4 = arith.constant 0 : i32
    %dma_start3A_5 = arith.constant 0 : i32
    %dma_start3A_6 = tpu.memref_slice %arg2[%add3A, %dma_start3A_4, %dma_start3A_5] : memref<32x4x128xi32, #tpu.memory_space<hbm>> -> memref<1x4x128xi32, #tpu.memory_space<hbm>>
    %dma_start3A_7 = tpu.memref_squeeze %dma_start3A_6 : memref<1x4x128xi32, #tpu.memory_space<hbm>> -> memref<4x128xi32, #tpu.memory_space<hbm>>
    tpu.enqueue_dma source(%dma_start3A_7 : memref<4x128xi32, #tpu.memory_space<hbm>>) target(%arg9 : memref<4x128xi32, #tpu.memory_space<vmem>>) target_semaphore(%arg16 : memref<!tpu.dma_semaphore, #tpu.memory_space<semaphore_mem>>)
    %dma_start3A_8 = arith.constant 0 : i32
    %dma_start3A_9 = arith.constant 0 : i32
    %dma_start3A_10 = tpu.memref_slice %arg3[%add3A, %dma_start3A_8, %dma_start3A_9] : memref<32x4x128xi32, #tpu.memory_space<hbm>> -> memref<1x4x128xi32, #tpu.memory_space<hbm>>
    %dma_start3A_11 = tpu.memref_squeeze %dma_start3A_10 : memref<1x4x128xi32, #tpu.memory_space<hbm>> -> memref<4x128xi32, #tpu.memory_space<hbm>>
    %dma_start3A_12 = arith.constant 0 : i32
    %dma_start3A_13 = arith.constant 0 : i32
    %dma_start3A_14 = tpu.memref_slice %arg3[%add3A, %dma_start3A_12, %dma_start3A_13] : memref<32x4x128xi32, #tpu.memory_space<hbm>> -> memref<1x4x128xi32, #tpu.memory_space<hbm>>
    %dma_start3A_15 = tpu.memref_squeeze %dma_start3A_14 : memref<1x4x128xi32, #tpu.memory_space<hbm>> -> memref<4x128xi32, #tpu.memory_space<hbm>>
    tpu.enqueue_dma source(%dma_start3A_15 : memref<4x128xi32, #tpu.memory_space<hbm>>) target(%arg10 : memref<4x128xi32, #tpu.memory_space<vmem>>) target_semaphore(%arg19 : memref<!tpu.dma_semaphore, #tpu.memory_space<semaphore_mem>>)
    tpu.enqueue_dma source(%arg6 : memref<8x16xf32, #tpu.memory_space<hbm>>) target(%arg13 : memref<8x16xf32, #tpu.memory_space<vmem>>) target_semaphore(%arg18 : memref<!tpu.dma_semaphore, #tpu.memory_space<semaphore_mem>>)
    tpu.enqueue_dma source(%arg7 : memref<16xf32, #tpu.memory_space<hbm>>) target(%arg14 : memref<16xf32, #tpu.memory_space<vmem>>) target_semaphore(%arg21 : memref<!tpu.dma_semaphore, #tpu.memory_space<semaphore_mem>>)
    %dma_wait3A = arith.constant 0 : i32
    %dma_wait3A_16 = arith.constant 0 : i32
    %dma_wait3A_17 = tpu.memref_slice %arg2[%add3A, %dma_wait3A, %dma_wait3A_16] : memref<32x4x128xi32, #tpu.memory_space<hbm>> -> memref<1x4x128xi32, #tpu.memory_space<hbm>>
    %dma_wait3A_18 = tpu.memref_squeeze %dma_wait3A_17 : memref<1x4x128xi32, #tpu.memory_space<hbm>> -> memref<4x128xi32, #tpu.memory_space<hbm>>
    %dma_wait3A_19 = arith.constant 0 : i32
    %dma_wait3A_20 = arith.constant 0 : i32
    %dma_wait3A_21 = tpu.memref_slice %arg2[%add3A, %dma_wait3A_19, %dma_wait3A_20] : memref<32x4x128xi32, #tpu.memory_space<hbm>> -> memref<1x4x128xi32, #tpu.memory_space<hbm>>
    %dma_wait3A_22 = tpu.memref_squeeze %dma_wait3A_21 : memref<1x4x128xi32, #tpu.memory_space<hbm>> -> memref<4x128xi32, #tpu.memory_space<hbm>>
    tpu.wait_dma2 semaphore(%arg16 : memref<!tpu.dma_semaphore, #tpu.memory_space<semaphore_mem>>) src(%dma_wait3A_22 : memref<4x128xi32, #tpu.memory_space<hbm>>) dst(%arg9 : memref<4x128xi32, #tpu.memory_space<vmem>>)
    %dma_wait3A_23 = arith.constant 0 : i32
    %dma_wait3A_24 = arith.constant 0 : i32
    %dma_wait3A_25 = tpu.memref_slice %arg3[%add3A, %dma_wait3A_23, %dma_wait3A_24] : memref<32x4x128xi32, #tpu.memory_space<hbm>> -> memref<1x4x128xi32, #tpu.memory_space<hbm>>
    %dma_wait3A_26 = tpu.memref_squeeze %dma_wait3A_25 : memref<1x4x128xi32, #tpu.memory_space<hbm>> -> memref<4x128xi32, #tpu.memory_space<hbm>>
    %dma_wait3A_27 = arith.constant 0 : i32
    %dma_wait3A_28 = arith.constant 0 : i32
    %dma_wait3A_29 = tpu.memref_slice %arg3[%add3A, %dma_wait3A_27, %dma_wait3A_28] : memref<32x4x128xi32, #tpu.memory_space<hbm>> -> memref<1x4x128xi32, #tpu.memory_space<hbm>>
    %dma_wait3A_30 = tpu.memref_squeeze %dma_wait3A_29 : memref<1x4x128xi32, #tpu.memory_space<hbm>> -> memref<4x128xi32, #tpu.memory_space<hbm>>
    tpu.wait_dma2 semaphore(%arg19 : memref<!tpu.dma_semaphore, #tpu.memory_space<semaphore_mem>>) src(%dma_wait3A_30 : memref<4x128xi32, #tpu.memory_space<hbm>>) dst(%arg10 : memref<4x128xi32, #tpu.memory_space<vmem>>)
    %dma_start3A_31 = arith.constant 0 : i32
    %dma_start3A_32 = arith.constant 0 : i32
    %dma_start3A_33 = arith.constant 0 : i32
    %dma_start3A_34 = arith.constant 0 : i32
    %dma_start3A_35 = tpu.memref_slice %arg11[%dma_start3A_32, %dma_start3A_33, %dma_start3A_34] : memref<3x128x128xf32, #tpu.memory_space<vmem>> -> memref<1x128x128xf32, #tpu.memory_space<vmem>>
    %dma_start3A_36 = tpu.memref_squeeze %dma_start3A_35 : memref<1x128x128xf32, #tpu.memory_space<vmem>> -> memref<128x128xf32, #tpu.memory_space<vmem>>
    %dma_start3A_37 = arith.constant 0 : i32
    %dma_start3A_38 = tpu.memref_slice %arg9[%dma_start3A_31, %dma_start3A_37] : memref<4x128xi32, #tpu.memory_space<vmem>> -> memref<1x128xi32, #tpu.memory_space<vmem>>
    %dma_start3A_39 = tpu.memref_squeeze %dma_start3A_38 : memref<1x128xi32, #tpu.memory_space<vmem>> -> memref<128xi32, #tpu.memory_space<vmem>>
    %dma_start3A_40 = arith.constant 0 : i32
    %dma_start3A_41 = arith.constant 0 : i32
    %dma_start3A_42 = tpu.memref_slice %arg4[%dma_start3A_40, %dma_start3A_41] : memref<100000x128xf32, #tpu.memory_space<hbm>> -> memref<100000x128xf32, #tpu.memory_space<hbm>>
    tpu.enqueue_indirect_dma source(%dma_start3A_42 : memref<100000x128xf32, #tpu.memory_space<hbm>>) target(%dma_start3A_36 : memref<128x128xf32, #tpu.memory_space<vmem>>) offsets(%dma_start3A_39 : memref<128xi32, #tpu.memory_space<vmem>>) semaphore(%arg16 : memref<!tpu.dma_semaphore, #tpu.memory_space<semaphore_mem>>)
    %dma_start3A_43 = arith.constant 0 : i32
    %dma_start3A_44 = arith.constant 0 : i32
    %dma_start3A_45 = arith.constant 0 : i32
    %dma_start3A_46 = arith.constant 0 : i32
    %dma_start3A_47 = tpu.memref_slice %arg12[%dma_start3A_44, %dma_start3A_45, %dma_start3A_46] : memref<3x128x128xf32, #tpu.memory_space<vmem>> -> memref<1x128x128xf32, #tpu.memory_space<vmem>>
    %dma_start3A_48 = tpu.memref_squeeze %dma_start3A_47 : memref<1x128x128xf32, #tpu.memory_space<vmem>> -> memref<128x128xf32, #tpu.memory_space<vmem>>
    %dma_start3A_49 = arith.constant 0 : i32
    %dma_start3A_50 = tpu.memref_slice %arg10[%dma_start3A_43, %dma_start3A_49] : memref<4x128xi32, #tpu.memory_space<vmem>> -> memref<1x128xi32, #tpu.memory_space<vmem>>
    %dma_start3A_51 = tpu.memref_squeeze %dma_start3A_50 : memref<1x128xi32, #tpu.memory_space<vmem>> -> memref<128xi32, #tpu.memory_space<vmem>>
    %dma_start3A_52 = arith.constant 0 : i32
    %dma_start3A_53 = arith.constant 0 : i32
    %dma_start3A_54 = tpu.memref_slice %arg5[%dma_start3A_52, %dma_start3A_53] : memref<100000x128xf32, #tpu.memory_space<hbm>> -> memref<100000x128xf32, #tpu.memory_space<hbm>>
    tpu.enqueue_indirect_dma source(%dma_start3A_54 : memref<100000x128xf32, #tpu.memory_space<hbm>>) target(%dma_start3A_48 : memref<128x128xf32, #tpu.memory_space<vmem>>) offsets(%dma_start3A_51 : memref<128xi32, #tpu.memory_space<vmem>>) semaphore(%arg19 : memref<!tpu.dma_semaphore, #tpu.memory_space<semaphore_mem>>)
    %dma_start3A_55 = arith.constant 1 : i32
    %dma_start3A_56 = arith.constant 1 : i32
    %dma_start3A_57 = arith.constant 0 : i32
    %dma_start3A_58 = arith.constant 0 : i32
    %dma_start3A_59 = tpu.memref_slice %arg11[%dma_start3A_56, %dma_start3A_57, %dma_start3A_58] : memref<3x128x128xf32, #tpu.memory_space<vmem>> -> memref<1x128x128xf32, #tpu.memory_space<vmem>>
    %dma_start3A_60 = tpu.memref_squeeze %dma_start3A_59 : memref<1x128x128xf32, #tpu.memory_space<vmem>> -> memref<128x128xf32, #tpu.memory_space<vmem>>
    %dma_start3A_61 = arith.constant 0 : i32
    %dma_start3A_62 = tpu.memref_slice %arg9[%dma_start3A_55, %dma_start3A_61] : memref<4x128xi32, #tpu.memory_space<vmem>> -> memref<1x128xi32, #tpu.memory_space<vmem>>
    %dma_start3A_63 = tpu.memref_squeeze %dma_start3A_62 : memref<1x128xi32, #tpu.memory_space<vmem>> -> memref<128xi32, #tpu.memory_space<vmem>>
    %dma_start3A_64 = arith.constant 0 : i32
    %dma_start3A_65 = arith.constant 0 : i32
    %dma_start3A_66 = tpu.memref_slice %arg4[%dma_start3A_64, %dma_start3A_65] : memref<100000x128xf32, #tpu.memory_space<hbm>> -> memref<100000x128xf32, #tpu.memory_space<hbm>>
    tpu.enqueue_indirect_dma source(%dma_start3A_66 : memref<100000x128xf32, #tpu.memory_space<hbm>>) target(%dma_start3A_60 : memref<128x128xf32, #tpu.memory_space<vmem>>) offsets(%dma_start3A_63 : memref<128xi32, #tpu.memory_space<vmem>>) semaphore(%arg17 : memref<!tpu.dma_semaphore, #tpu.memory_space<semaphore_mem>>)
    %dma_start3A_67 = arith.constant 1 : i32
    %dma_start3A_68 = arith.constant 1 : i32
    %dma_start3A_69 = arith.constant 0 : i32
    %dma_start3A_70 = arith.constant 0 : i32
    %dma_start3A_71 = tpu.memref_slice %arg12[%dma_start3A_68, %dma_start3A_69, %dma_start3A_70] : memref<3x128x128xf32, #tpu.memory_space<vmem>> -> memref<1x128x128xf32, #tpu.memory_space<vmem>>
    %dma_start3A_72 = tpu.memref_squeeze %dma_start3A_71 : memref<1x128x128xf32, #tpu.memory_space<vmem>> -> memref<128x128xf32, #tpu.memory_space<vmem>>
    %dma_start3A_73 = arith.constant 0 : i32
    %dma_start3A_74 = tpu.memref_slice %arg10[%dma_start3A_67, %dma_start3A_73] : memref<4x128xi32, #tpu.memory_space<vmem>> -> memref<1x128xi32, #tpu.memory_space<vmem>>
    %dma_start3A_75 = tpu.memref_squeeze %dma_start3A_74 : memref<1x128xi32, #tpu.memory_space<vmem>> -> memref<128xi32, #tpu.memory_space<vmem>>
    %dma_start3A_76 = arith.constant 0 : i32
    %dma_start3A_77 = arith.constant 0 : i32
    %dma_start3A_78 = tpu.memref_slice %arg5[%dma_start3A_76, %dma_start3A_77] : memref<100000x128xf32, #tpu.memory_space<hbm>> -> memref<100000x128xf32, #tpu.memory_space<hbm>>
    tpu.enqueue_indirect_dma source(%dma_start3A_78 : memref<100000x128xf32, #tpu.memory_space<hbm>>) target(%dma_start3A_72 : memref<128x128xf32, #tpu.memory_space<vmem>>) offsets(%dma_start3A_75 : memref<128xi32, #tpu.memory_space<vmem>>) semaphore(%arg20 : memref<!tpu.dma_semaphore, #tpu.memory_space<semaphore_mem>>)
    tpu.wait_dma2 semaphore(%arg18 : memref<!tpu.dma_semaphore, #tpu.memory_space<semaphore_mem>>) src(%arg6 : memref<8x16xf32, #tpu.memory_space<hbm>>) dst(%arg13 : memref<8x16xf32, #tpu.memory_space<vmem>>)
    tpu.wait_dma2 semaphore(%arg21 : memref<!tpu.dma_semaphore, #tpu.memory_space<semaphore_mem>>) src(%arg7 : memref<16xf32, #tpu.memory_space<hbm>>) dst(%arg14 : memref<16xf32, #tpu.memory_space<vmem>>)
    %get3A = arith.constant 0 : index
    %get3A_79 = tpu.vector_load %arg14[%get3A] {strides = array<i32>} : memref<16xf32, #tpu.memory_space<vmem>>, vector<16xf32>,
    %get3A_80 = arith.constant 0 : i32
    %get3A_81 = arith.index_cast %get3A_80 : i32 to index
    %get3A_82 = arith.constant 0 : index
    %get3A_83 = tpu.vector_load %arg13[%get3A_81, %get3A_82] {strides = array<i32>} : memref<8x16xf32, #tpu.memory_space<vmem>>, vector<16xf32>,
    %get3A_84 = arith.constant 1 : i32
    %get3A_85 = arith.index_cast %get3A_84 : i32 to index
    %get3A_86 = arith.constant 0 : index
    %get3A_87 = tpu.vector_load %arg13[%get3A_85, %get3A_86] {strides = array<i32>} : memref<8x16xf32, #tpu.memory_space<vmem>>, vector<16xf32>,
    %get3A_88 = arith.constant 2 : i32
    %get3A_89 = arith.index_cast %get3A_88 : i32 to index
    %get3A_90 = arith.constant 0 : index
    %get3A_91 = tpu.vector_load %arg13[%get3A_89, %get3A_90] {strides = array<i32>} : memref<8x16xf32, #tpu.memory_space<vmem>>, vector<16xf32>,
    %get3A_92 = arith.constant 3 : i32
    %get3A_93 = arith.index_cast %get3A_92 : i32 to index
    %get3A_94 = arith.constant 0 : index
    %get3A_95 = tpu.vector_load %arg13[%get3A_93, %get3A_94] {strides = array<i32>} : memref<8x16xf32, #tpu.memory_space<vmem>>, vector<16xf32>,
    %get3A_96 = arith.constant 4 : i32
    %get3A_97 = arith.index_cast %get3A_96 : i32 to index
    %get3A_98 = arith.constant 0 : index
    %get3A_99 = tpu.vector_load %arg13[%get3A_97, %get3A_98] {strides = array<i32>} : memref<8x16xf32, #tpu.memory_space<vmem>>, vector<16xf32>,
    %get3A_100 = arith.constant 5 : i32
    %get3A_101 = arith.index_cast %get3A_100 : i32 to index
    %get3A_102 = arith.constant 0 : index
    %get3A_103 = tpu.vector_load %arg13[%get3A_101, %get3A_102] {strides = array<i32>} : memref<8x16xf32, #tpu.memory_space<vmem>>, vector<16xf32>,
    %get3A_104 = arith.constant 6 : i32
    %get3A_105 = arith.index_cast %get3A_104 : i32 to index
    %get3A_106 = arith.constant 0 : index
    %get3A_107 = tpu.vector_load %arg13[%get3A_105, %get3A_106] {strides = array<i32>} : memref<8x16xf32, #tpu.memory_space<vmem>>, vector<16xf32>,
    %get3A_108 = arith.constant 7 : i32
    %get3A_109 = arith.index_cast %get3A_108 : i32 to index
    %get3A_110 = arith.constant 0 : index
    %get3A_111 = tpu.vector_load %arg13[%get3A_109, %get3A_110] {strides = array<i32>} : memref<8x16xf32, #tpu.memory_space<vmem>>, vector<16xf32>,
    %iota3A = tpu.iota {dimensions = array<i32: 0>} : vector<16xi32>
    %xor3A = arith.constant 1 : i32
    %xor3A_112 = vector.broadcast %xor3A : i32 to vector<16xi32>
    %xor3A_113 = arith.xori %iota3A, %xor3A_112 : vector<16xi32>
    %xor3A_114 = arith.constant 2 : i32
    %xor3A_115 = vector.broadcast %xor3A_114 : i32 to vector<16xi32>
    %xor3A_116 = arith.xori %iota3A, %xor3A_115 : vector<16xi32>
    %xor3A_117 = arith.constant 4 : i32
    %xor3A_118 = vector.broadcast %xor3A_117 : i32 to vector<16xi32>
    %xor3A_119 = arith.xori %iota3A, %xor3A_118 : vector<16xi32>
    %xor3A_120 = arith.constant 8 : i32
    %xor3A_121 = vector.broadcast %xor3A_120 : i32 to vector<16xi32>
    %xor3A_122 = arith.xori %iota3A, %xor3A_121 : vector<16xi32>
    %dma_wait3A_123 = arith.constant 0 : i32
    %dma_wait3A_124 = arith.constant 0 : i32
    %dma_wait3A_125 = arith.constant 0 : i32
    %dma_wait3A_126 = arith.constant 0 : i32
    %dma_wait3A_127 = tpu.memref_slice %arg11[%dma_wait3A_124, %dma_wait3A_125, %dma_wait3A_126] : memref<3x128x128xf32, #tpu.memory_space<vmem>> -> memref<1x128x128xf32, #tpu.memory_space<vmem>>
    %dma_wait3A_128 = tpu.memref_squeeze %dma_wait3A_127 : memref<1x128x128xf32, #tpu.memory_space<vmem>> -> memref<128x128xf32, #tpu.memory_space<vmem>>
    %dma_wait3A_129 = arith.constant 0 : i32
    %dma_wait3A_130 = tpu.memref_slice %arg9[%dma_wait3A_123, %dma_wait3A_129] : memref<4x128xi32, #tpu.memory_space<vmem>> -> memref<1x128xi32, #tpu.memory_space<vmem>>
    %dma_wait3A_131 = tpu.memref_squeeze %dma_wait3A_130 : memref<1x128xi32, #tpu.memory_space<vmem>> -> memref<128xi32, #tpu.memory_space<vmem>>
    %dma_wait3A_132 = arith.constant 0 : i32
    %dma_wait3A_133 = arith.constant 0 : i32
    %dma_wait3A_134 = tpu.memref_slice %arg4[%dma_wait3A_132, %dma_wait3A_133] : memref<100000x128xf32, #tpu.memory_space<hbm>> -> memref<100000x128xf32, #tpu.memory_space<hbm>>
    tpu.wait_indirect_dma semaphore(%arg16 : memref<!tpu.dma_semaphore, #tpu.memory_space<semaphore_mem>>) src(%dma_wait3A_134 : memref<100000x128xf32, #tpu.memory_space<hbm>>) dst(%dma_wait3A_128 : memref<128x128xf32, #tpu.memory_space<vmem>>)
    %dma_wait3A_135 = arith.constant 0 : i32
    %dma_wait3A_136 = arith.constant 0 : i32
    %dma_wait3A_137 = arith.constant 0 : i32
    %dma_wait3A_138 = arith.constant 0 : i32
    %dma_wait3A_139 = tpu.memref_slice %arg12[%dma_wait3A_136, %dma_wait3A_137, %dma_wait3A_138] : memref<3x128x128xf32, #tpu.memory_space<vmem>> -> memref<1x128x128xf32, #tpu.memory_space<vmem>>
    %dma_wait3A_140 = tpu.memref_squeeze %dma_wait3A_139 : memref<1x128x128xf32, #tpu.memory_space<vmem>> -> memref<128x128xf32, #tpu.memory_space<vmem>>
    %dma_wait3A_141 = arith.constant 0 : i32
    %dma_wait3A_142 = tpu.memref_slice %arg10[%dma_wait3A_135, %dma_wait3A_141] : memref<4x128xi32, #tpu.memory_space<vmem>> -> memref<1x128xi32, #tpu.memory_space<vmem>>
    %dma_wait3A_143 = tpu.memref_squeeze %dma_wait3A_142 : memref<1x128xi32, #tpu.memory_space<vmem>> -> memref<128xi32, #tpu.memory_space<vmem>>
    %dma_wait3A_144 = arith.constant 0 : i32
    %dma_wait3A_145 = arith.constant 0 : i32
    %dma_wait3A_146 = tpu.memref_slice %arg5[%dma_wait3A_144, %dma_wait3A_145] : memref<100000x128xf32, #tpu.memory_space<hbm>> -> memref<100000x128xf32, #tpu.memory_space<hbm>>
    tpu.wait_indirect_dma semaphore(%arg19 : memref<!tpu.dma_semaphore, #tpu.memory_space<semaphore_mem>>) src(%dma_wait3A_146 : memref<100000x128xf32, #tpu.memory_space<hbm>>) dst(%dma_wait3A_140 : memref<128x128xf32, #tpu.memory_space<vmem>>)
    %dma_start3A_147 = arith.constant 2 : i32
    %dma_start3A_148 = arith.constant 2 : i32
    %dma_start3A_149 = arith.constant 0 : i32
    %dma_start3A_150 = arith.constant 0 : i32
    %dma_start3A_151 = tpu.memref_slice %arg11[%dma_start3A_148, %dma_start3A_149, %dma_start3A_150] : memref<3x128x128xf32, #tpu.memory_space<vmem>> -> memref<1x128x128xf32, #tpu.memory_space<vmem>>
    %dma_start3A_152 = tpu.memref_squeeze %dma_start3A_151 : memref<1x128x128xf32, #tpu.memory_space<vmem>> -> memref<128x128xf32, #tpu.memory_space<vmem>>
    %dma_start3A_153 = arith.constant 0 : i32
    %dma_start3A_154 = tpu.memref_slice %arg9[%dma_start3A_147, %dma_start3A_153] : memref<4x128xi32, #tpu.memory_space<vmem>> -> memref<1x128xi32, #tpu.memory_space<vmem>>
    %dma_start3A_155 = tpu.memref_squeeze %dma_start3A_154 : memref<1x128xi32, #tpu.memory_space<vmem>> -> memref<128xi32, #tpu.memory_space<vmem>>
    %dma_start3A_156 = arith.constant 0 : i32
    %dma_start3A_157 = arith.constant 0 : i32
    %dma_start3A_158 = tpu.memref_slice %arg4[%dma_start3A_156, %dma_start3A_157] : memref<100000x128xf32, #tpu.memory_space<hbm>> -> memref<100000x128xf32, #tpu.memory_space<hbm>>
    tpu.enqueue_indirect_dma source(%dma_start3A_158 : memref<100000x128xf32, #tpu.memory_space<hbm>>) target(%dma_start3A_152 : memref<128x128xf32, #tpu.memory_space<vmem>>) offsets(%dma_start3A_155 : memref<128xi32, #tpu.memory_space<vmem>>) semaphore(%arg18 : memref<!tpu.dma_semaphore, #tpu.memory_space<semaphore_mem>>)
    %dma_start3A_159 = arith.constant 2 : i32
    %dma_start3A_160 = arith.constant 2 : i32
    %dma_start3A_161 = arith.constant 0 : i32
    %dma_start3A_162 = arith.constant 0 : i32
    %dma_start3A_163 = tpu.memref_slice %arg12[%dma_start3A_160, %dma_start3A_161, %dma_start3A_162] : memref<3x128x128xf32, #tpu.memory_space<vmem>> -> memref<1x128x128xf32, #tpu.memory_space<vmem>>
    %dma_start3A_164 = tpu.memref_squeeze %dma_start3A_163 : memref<1x128x128xf32, #tpu.memory_space<vmem>> -> memref<128x128xf32, #tpu.memory_space<vmem>>
    %dma_start3A_165 = arith.constant 0 : i32
    %dma_start3A_166 = tpu.memref_slice %arg10[%dma_start3A_159, %dma_start3A_165] : memref<4x128xi32, #tpu.memory_space<vmem>> -> memref<1x128xi32, #tpu.memory_space<vmem>>
    %dma_start3A_167 = tpu.memref_squeeze %dma_start3A_166 : memref<1x128xi32, #tpu.memory_space<vmem>> -> memref<128xi32, #tpu.memory_space<vmem>>
    %dma_start3A_168 = arith.constant 0 : i32
    %dma_start3A_169 = arith.constant 0 : i32
    %dma_start3A_170 = tpu.memref_slice %arg5[%dma_start3A_168, %dma_start3A_169] : memref<100000x128xf32, #tpu.memory_space<hbm>> -> memref<100000x128xf32, #tpu.memory_space<hbm>>
    tpu.enqueue_indirect_dma source(%dma_start3A_170 : memref<100000x128xf32, #tpu.memory_space<hbm>>) target(%dma_start3A_164 : memref<128x128xf32, #tpu.memory_space<vmem>>) offsets(%dma_start3A_167 : memref<128xi32, #tpu.memory_space<vmem>>) semaphore(%arg21 : memref<!tpu.dma_semaphore, #tpu.memory_space<semaphore_mem>>)
    %parallel_loop3A = arith.constant 0 : i32
    %parallel_loop3A_171 = arith.constant 8 : i32
    %parallel_loop3A_172 = arith.constant 1 : i32
    scf.for %parallel_loop3A_358 = %parallel_loop3A to %parallel_loop3A_171 step %parallel_loop3A_172  : i32 {
      %parallel_loop3A_359 = arith.constant 0 : i32
      %parallel_loop3A_360 = arith.constant 16 : i32
      %parallel_loop3A_361 = arith.constant 1 : i32
      %parallel_loop3A_362 = scf.for %parallel_loop3A_370 = %parallel_loop3A_359 to %parallel_loop3A_360 step %parallel_loop3A_361 iter_args(%parallel_loop3A_371 = %get3A_79) -> (vector<16xf32>)  : i32 {
        %parallel_loop3A_372 = arith.constant 16 : i32
        %parallel_loop3A_373 = arith.muli %parallel_loop3A_358, %parallel_loop3A_372 : i32
        %parallel_loop3A_374 = arith.addi %parallel_loop3A_373, %parallel_loop3A_370 : i32
        %parallel_loop3A_375 = arith.constant 0 : i32
        %parallel_loop3A_376 = arith.index_cast %parallel_loop3A_375 : i32 to index
        %parallel_loop3A_377 = arith.index_cast %parallel_loop3A_374 : i32 to index
        %parallel_loop3A_378 = arith.constant 0 : index
        %parallel_loop3A_379 = tpu.vector_load %arg11[%parallel_loop3A_376, %parallel_loop3A_377, %parallel_loop3A_378] {strides = array<i32>} : memref<3x128x128xf32, #tpu.memory_space<vmem>>, vector<16xf32>,
        %parallel_loop3A_380 = arith.constant 0 : i32
        %parallel_loop3A_381 = arith.index_cast %parallel_loop3A_380 : i32 to index
        %parallel_loop3A_382 = arith.index_cast %parallel_loop3A_374 : i32 to index
        %parallel_loop3A_383 = arith.constant 0 : index
        %parallel_loop3A_384 = tpu.vector_load %arg12[%parallel_loop3A_381, %parallel_loop3A_382, %parallel_loop3A_383] {strides = array<i32>} : memref<3x128x128xf32, #tpu.memory_space<vmem>>, vector<16xf32>,
        %parallel_loop3A_385 = arith.mulf %parallel_loop3A_379, %parallel_loop3A_384 : vector<16xf32>
        %parallel_loop3A_386 = arith.mulf %parallel_loop3A_385, %get3A_83 : vector<16xf32>
        %parallel_loop3A_387 = arith.constant 0 : i32
        %parallel_loop3A_388 = arith.index_cast %parallel_loop3A_387 : i32 to index
        %parallel_loop3A_389 = arith.index_cast %parallel_loop3A_374 : i32 to index
        %parallel_loop3A_390 = arith.constant 16 : index
        %parallel_loop3A_391 = tpu.vector_load %arg11[%parallel_loop3A_388, %parallel_loop3A_389, %parallel_loop3A_390] {strides = array<i32>} : memref<3x128x128xf32, #tpu.memory_space<vmem>>, vector<16xf32>,
        %parallel_loop3A_392 = arith.constant 0 : i32
        %parallel_loop3A_393 = arith.index_cast %parallel_loop3A_392 : i32 to index
        %parallel_loop3A_394 = arith.index_cast %parallel_loop3A_374 : i32 to index
        %parallel_loop3A_395 = arith.constant 16 : index
        %parallel_loop3A_396 = tpu.vector_load %arg12[%parallel_loop3A_393, %parallel_loop3A_394, %parallel_loop3A_395] {strides = array<i32>} : memref<3x128x128xf32, #tpu.memory_space<vmem>>, vector<16xf32>,
        %parallel_loop3A_397 = arith.mulf %parallel_loop3A_391, %parallel_loop3A_396 : vector<16xf32>
        %parallel_loop3A_398 = arith.mulf %parallel_loop3A_397, %get3A_87 : vector<16xf32>
        %parallel_loop3A_399 = arith.addf %parallel_loop3A_386, %parallel_loop3A_398 : vector<16xf32>
        %parallel_loop3A_400 = arith.constant 0 : i32
        %parallel_loop3A_401 = arith.index_cast %parallel_loop3A_400 : i32 to index
        %parallel_loop3A_402 = arith.index_cast %parallel_loop3A_374 : i32 to index
        %parallel_loop3A_403 = arith.constant 32 : index
        %parallel_loop3A_404 = tpu.vector_load %arg11[%parallel_loop3A_401, %parallel_loop3A_402, %parallel_loop3A_403] {strides = array<i32>} : memref<3x128x128xf32, #tpu.memory_space<vmem>>, vector<16xf32>,
        %parallel_loop3A_405 = arith.constant 0 : i32
        %parallel_loop3A_406 = arith.index_cast %parallel_loop3A_405 : i32 to index
        %parallel_loop3A_407 = arith.index_cast %parallel_loop3A_374 : i32 to index
        %parallel_loop3A_408 = arith.constant 32 : index
        %parallel_loop3A_409 = tpu.vector_load %arg12[%parallel_loop3A_406, %parallel_loop3A_407, %parallel_loop3A_408] {strides = array<i32>} : memref<3x128x128xf32, #tpu.memory_space<vmem>>, vector<16xf32>,
        %parallel_loop3A_410 = arith.mulf %parallel_loop3A_404, %parallel_loop3A_409 : vector<16xf32>
        %parallel_loop3A_411 = arith.mulf %parallel_loop3A_410, %get3A_91 : vector<16xf32>
        %parallel_loop3A_412 = arith.addf %parallel_loop3A_399, %parallel_loop3A_411 : vector<16xf32>
        %parallel_loop3A_413 = arith.constant 0 : i32
        %parallel_loop3A_414 = arith.index_cast %parallel_loop3A_413 : i32 to index
        %parallel_loop3A_415 = arith.index_cast %parallel_loop3A_374 : i32 to index
        %parallel_loop3A_416 = arith.constant 48 : index
        %parallel_loop3A_417 = tpu.vector_load %arg11[%parallel_loop3A_414, %parallel_loop3A_415, %parallel_loop3A_416] {strides = array<i32>} : memref<3x128x128xf32, #tpu.memory_space<vmem>>, vector<16xf32>,
        %parallel_loop3A_418 = arith.constant 0 : i32
        %parallel_loop3A_419 = arith.index_cast %parallel_loop3A_418 : i32 to index
        %parallel_loop3A_420 = arith.index_cast %parallel_loop3A_374 : i32 to index
        %parallel_loop3A_421 = arith.constant 48 : index
        %parallel_loop3A_422 = tpu.vector_load %arg12[%parallel_loop3A_419, %parallel_loop3A_420, %parallel_loop3A_421] {strides = array<i32>} : memref<3x128x128xf32, #tpu.memory_space<vmem>>, vector<16xf32>,
        %parallel_loop3A_423 = arith.mulf %parallel_loop3A_417, %parallel_loop3A_422 : vector<16xf32>
        %parallel_loop3A_424 = arith.mulf %parallel_loop3A_423, %get3A_95 : vector<16xf32>
        %parallel_loop3A_425 = arith.addf %parallel_loop3A_412, %parallel_loop3A_424 : vector<16xf32>
        %parallel_loop3A_426 = arith.constant 0 : i32
        %parallel_loop3A_427 = arith.index_cast %parallel_loop3A_426 : i32 to index
        %parallel_loop3A_428 = arith.index_cast %parallel_loop3A_374 : i32 to index
        %parallel_loop3A_429 = arith.constant 64 : index
        %parallel_loop3A_430 = tpu.vector_load %arg11[%parallel_loop3A_427, %parallel_loop3A_428, %parallel_loop3A_429] {strides = array<i32>} : memref<3x128x128xf32, #tpu.memory_space<vmem>>, vector<16xf32>,
        %parallel_loop3A_431 = arith.constant 0 : i32
        %parallel_loop3A_432 = arith.index_cast %parallel_loop3A_431 : i32 to index
        %parallel_loop3A_433 = arith.index_cast %parallel_loop3A_374 : i32 to index
        %parallel_loop3A_434 = arith.constant 64 : index
        %parallel_loop3A_435 = tpu.vector_load %arg12[%parallel_loop3A_432, %parallel_loop3A_433, %parallel_loop3A_434] {strides = array<i32>} : memref<3x128x128xf32, #tpu.memory_space<vmem>>, vector<16xf32>,
        %parallel_loop3A_436 = arith.mulf %parallel_loop3A_430, %parallel_loop3A_435 : vector<16xf32>
        %parallel_loop3A_437 = arith.mulf %parallel_loop3A_436, %get3A_99 : vector<16xf32>
        %parallel_loop3A_438 = arith.addf %parallel_loop3A_425, %parallel_loop3A_437 : vector<16xf32>
        %parallel_loop3A_439 = arith.constant 0 : i32
        %parallel_loop3A_440 = arith.index_cast %parallel_loop3A_439 : i32 to index
        %parallel_loop3A_441 = arith.index_cast %parallel_loop3A_374 : i32 to index
        %parallel_loop3A_442 = arith.constant 80 : index
        %parallel_loop3A_443 = tpu.vector_load %arg11[%parallel_loop3A_440, %parallel_loop3A_441, %parallel_loop3A_442] {strides = array<i32>} : memref<3x128x128xf32, #tpu.memory_space<vmem>>, vector<16xf32>,
        %parallel_loop3A_444 = arith.constant 0 : i32
        %parallel_loop3A_445 = arith.index_cast %parallel_loop3A_444 : i32 to index
        %parallel_loop3A_446 = arith.index_cast %parallel_loop3A_374 : i32 to index
        %parallel_loop3A_447 = arith.constant 80 : index
        %parallel_loop3A_448 = tpu.vector_load %arg12[%parallel_loop3A_445, %parallel_loop3A_446, %parallel_loop3A_447] {strides = array<i32>} : memref<3x128x128xf32, #tpu.memory_space<vmem>>, vector<16xf32>,
        %parallel_loop3A_449 = arith.mulf %parallel_loop3A_443, %parallel_loop3A_448 : vector<16xf32>
        %parallel_loop3A_450 = arith.mulf %parallel_loop3A_449, %get3A_103 : vector<16xf32>
        %parallel_loop3A_451 = arith.addf %parallel_loop3A_438, %parallel_loop3A_450 : vector<16xf32>
        %parallel_loop3A_452 = arith.constant 0 : i32
        %parallel_loop3A_453 = arith.index_cast %parallel_loop3A_452 : i32 to index
        %parallel_loop3A_454 = arith.index_cast %parallel_loop3A_374 : i32 to index
        %parallel_loop3A_455 = arith.constant 96 : index
        %parallel_loop3A_456 = tpu.vector_load %arg11[%parallel_loop3A_453, %parallel_loop3A_454, %parallel_loop3A_455] {strides = array<i32>} : memref<3x128x128xf32, #tpu.memory_space<vmem>>, vector<16xf32>,
        %parallel_loop3A_457 = arith.constant 0 : i32
        %parallel_loop3A_458 = arith.index_cast %parallel_loop3A_457 : i32 to index
        %parallel_loop3A_459 = arith.index_cast %parallel_loop3A_374 : i32 to index
        %parallel_loop3A_460 = arith.constant 96 : index
        %parallel_loop3A_461 = tpu.vector_load %arg12[%parallel_loop3A_458, %parallel_loop3A_459, %parallel_loop3A_460] {strides = array<i32>} : memref<3x128x128xf32, #tpu.memory_space<vmem>>, vector<16xf32>,
        %parallel_loop3A_462 = arith.mulf %parallel_loop3A_456, %parallel_loop3A_461 : vector<16xf32>
        %parallel_loop3A_463 = arith.mulf %parallel_loop3A_462, %get3A_107 : vector<16xf32>
        %parallel_loop3A_464 = arith.addf %parallel_loop3A_451, %parallel_loop3A_463 : vector<16xf32>
        %parallel_loop3A_465 = arith.constant 0 : i32
        %parallel_loop3A_466 = arith.index_cast %parallel_loop3A_465 : i32 to index
        %parallel_loop3A_467 = arith.index_cast %parallel_loop3A_374 : i32 to index
        %parallel_loop3A_468 = arith.constant 112 : index
        %parallel_loop3A_469 = tpu.vector_load %arg11[%parallel_loop3A_466, %parallel_loop3A_467, %parallel_loop3A_468] {strides = array<i32>} : memref<3x128x128xf32, #tpu.memory_space<vmem>>, vector<16xf32>,
        %parallel_loop3A_470 = arith.constant 0 : i32
        %parallel_loop3A_471 = arith.index_cast %parallel_loop3A_470 : i32 to index
        %parallel_loop3A_472 = arith.index_cast %parallel_loop3A_374 : i32 to index
        %parallel_loop3A_473 = arith.constant 112 : index
        %parallel_loop3A_474 = tpu.vector_load %arg12[%parallel_loop3A_471, %parallel_loop3A_472, %parallel_loop3A_473] {strides = array<i32>} : memref<3x128x128xf32, #tpu.memory_space<vmem>>, vector<16xf32>,
        %parallel_loop3A_475 = arith.mulf %parallel_loop3A_469, %parallel_loop3A_474 : vector<16xf32>
        %parallel_loop3A_476 = arith.mulf %parallel_loop3A_475, %get3A_111 : vector<16xf32>
        %parallel_loop3A_477 = arith.addf %parallel_loop3A_464, %parallel_loop3A_476 : vector<16xf32>
        %parallel_loop3A_478 = arith.constant 0 : i32
        %parallel_loop3A_479 = vector.broadcast %parallel_loop3A_478 : i32 to vector<16xi32>
        %parallel_loop3A_480 = arith.cmpi slt, %xor3A_122, %parallel_loop3A_479 : vector<16xi32>
        %parallel_loop3A_481 = arith.constant 16 : i32
        %parallel_loop3A_482 = vector.broadcast %parallel_loop3A_481 : i32 to vector<16xi32>
        %parallel_loop3A_483 = arith.addi %xor3A_122, %parallel_loop3A_482 : vector<16xi32>
        %parallel_loop3A_484 = arith.select %parallel_loop3A_480, %parallel_loop3A_483, %xor3A_122 : vector<16xi1>, vector<16xi32>
        %parallel_loop3A_485 = vector.shape_cast %parallel_loop3A_484 : vector<16xi32> to vector<16x1xi32>
        %parallel_loop3A_486 = vector.shape_cast %parallel_loop3A_485 : vector<16x1xi32> to vector<16xi32>
        %parallel_loop3A_487 = tpu.dynamic_gather %parallel_loop3A_477[%parallel_loop3A_486] in [0] : vector<16xf32>, vector<16xi32> -> vector<16xf32>
        %parallel_loop3A_488 = arith.addf %parallel_loop3A_477, %parallel_loop3A_487 : vector<16xf32>
        %parallel_loop3A_489 = arith.constant 0 : i32
        %parallel_loop3A_490 = vector.broadcast %parallel_loop3A_489 : i32 to vector<16xi32>
        %parallel_loop3A_491 = arith.cmpi slt, %xor3A_119, %parallel_loop3A_490 : vector<16xi32>
        %parallel_loop3A_492 = arith.constant 16 : i32
        %parallel_loop3A_493 = vector.broadcast %parallel_loop3A_492 : i32 to vector<16xi32>
        %parallel_loop3A_494 = arith.addi %xor3A_119, %parallel_loop3A_493 : vector<16xi32>
        %parallel_loop3A_495 = arith.select %parallel_loop3A_491, %parallel_loop3A_494, %xor3A_119 : vector<16xi1>, vector<16xi32>
        %parallel_loop3A_496 = vector.shape_cast %parallel_loop3A_495 : vector<16xi32> to vector<16x1xi32>
        %parallel_loop3A_497 = vector.shape_cast %parallel_loop3A_496 : vector<16x1xi32> to vector<16xi32>
        %parallel_loop3A_498 = tpu.dynamic_gather %parallel_loop3A_488[%parallel_loop3A_497] in [0] : vector<16xf32>, vector<16xi32> -> vector<16xf32>
        %parallel_loop3A_499 = arith.addf %parallel_loop3A_488, %parallel_loop3A_498 : vector<16xf32>
        %parallel_loop3A_500 = arith.constant 0 : i32
        %parallel_loop3A_501 = vector.broadcast %parallel_loop3A_500 : i32 to vector<16xi32>
        %parallel_loop3A_502 = arith.cmpi slt, %xor3A_116, %parallel_loop3A_501 : vector<16xi32>
        %parallel_loop3A_503 = arith.constant 16 : i32
        %parallel_loop3A_504 = vector.broadcast %parallel_loop3A_503 : i32 to vector<16xi32>
        %parallel_loop3A_505 = arith.addi %xor3A_116, %parallel_loop3A_504 : vector<16xi32>
        %parallel_loop3A_506 = arith.select %parallel_loop3A_502, %parallel_loop3A_505, %xor3A_116 : vector<16xi1>, vector<16xi32>
        %parallel_loop3A_507 = vector.shape_cast %parallel_loop3A_506 : vector<16xi32> to vector<16x1xi32>
        %parallel_loop3A_508 = vector.shape_cast %parallel_loop3A_507 : vector<16x1xi32> to vector<16xi32>
        %parallel_loop3A_509 = tpu.dynamic_gather %parallel_loop3A_499[%parallel_loop3A_508] in [0] : vector<16xf32>, vector<16xi32> -> vector<16xf32>
        %parallel_loop3A_510 = arith.addf %parallel_loop3A_499, %parallel_loop3A_509 : vector<16xf32>
        %parallel_loop3A_511 = arith.constant 0 : i32
        %parallel_loop3A_512 = vector.broadcast %parallel_loop3A_511 : i32 to vector<16xi32>
        %parallel_loop3A_513 = arith.cmpi slt, %xor3A_113, %parallel_loop3A_512 : vector<16xi32>
        %parallel_loop3A_514 = arith.constant 16 : i32
        %parallel_loop3A_515 = vector.broadcast %parallel_loop3A_514 : i32 to vector<16xi32>
        %parallel_loop3A_516 = arith.addi %xor3A_113, %parallel_loop3A_515 : vector<16xi32>
        %parallel_loop3A_517 = arith.select %parallel_loop3A_513, %parallel_loop3A_516, %xor3A_113 : vector<16xi1>, vector<16xi32>
        %parallel_loop3A_518 = vector.shape_cast %parallel_loop3A_517 : vector<16xi32> to vector<16x1xi32>
        %parallel_loop3A_519 = vector.shape_cast %parallel_loop3A_518 : vector<16x1xi32> to vector<16xi32>
        %parallel_loop3A_520 = tpu.dynamic_gather %parallel_loop3A_510[%parallel_loop3A_519] in [0] : vector<16xf32>, vector<16xi32> -> vector<16xf32>
        %parallel_loop3A_521 = arith.addf %parallel_loop3A_510, %parallel_loop3A_520 : vector<16xf32>
        %parallel_loop3A_522 = vector.broadcast %parallel_loop3A_370 : i32 to vector<16xi32>
        %parallel_loop3A_523 = arith.cmpi eq, %iota3A, %parallel_loop3A_522 : vector<16xi32>
        %parallel_loop3A_524 = arith.select %parallel_loop3A_523, %parallel_loop3A_521, %parallel_loop3A_371 : vector<16xi1>, vector<16xf32>
        scf.yield %parallel_loop3A_524 : vector<16xf32>
      } {sc.loop_unroll_factor = 2 : i64, sc.parallel_access}
      %parallel_loop3A_363 = arith.constant 16 : i32
      %parallel_loop3A_364 = arith.muli %parallel_loop3A_358, %parallel_loop3A_363 : i32
      %parallel_loop3A_365 = arith.constant 0 : i32
      %parallel_loop3A_366 = arith.addi %parallel_loop3A_365, %parallel_loop3A_364 : i32
      %parallel_loop3A_367 = tpu.assume_multiple %parallel_loop3A_366, 16 : i32
      %parallel_loop3A_368 = arith.index_cast %parallel_loop3A_367 : i32 to index
      %parallel_loop3A_369 = tpu.vector_load %arg15[%parallel_loop3A_368] {strides = array<i32>} : memref<512xf32, #tpu.memory_space<vmem>>, vector<16xf32>,
      tpu.vector_store %arg15[%parallel_loop3A_368], %parallel_loop3A_362 {strides = array<i32>} : memref<512xf32, #tpu.memory_space<vmem>>, vector<16xf32>,
    } {sc.loop_unroll_factor = 1 : i64, sc.parallel_access}
    %dma_start3A_173 = arith.constant 0 : i32
    %dma_start3A_174 = tpu.memref_slice %arg15[%dma_start3A_173] : memref<512xf32, #tpu.memory_space<vmem>> -> memref<128xf32, #tpu.memory_space<vmem>>
    %dma_start3A_175 = arith.constant 0 : i32
    %dma_start3A_176 = tpu.memref_slice %arg8[%add3A, %dma_start3A_175] : memref<32x512xf32, #tpu.memory_space<hbm>> -> memref<1x128xf32, #tpu.memory_space<hbm>>
    %dma_start3A_177 = tpu.memref_squeeze %dma_start3A_176 : memref<1x128xf32, #tpu.memory_space<hbm>> -> memref<128xf32, #tpu.memory_space<hbm>>
    %dma_start3A_178 = arith.constant 0 : i32
    %dma_start3A_179 = tpu.memref_slice %arg8[%add3A, %dma_start3A_178] : memref<32x512xf32, #tpu.memory_space<hbm>> -> memref<1x128xf32, #tpu.memory_space<hbm>>
    %dma_start3A_180 = tpu.memref_squeeze %dma_start3A_179 : memref<1x128xf32, #tpu.memory_space<hbm>> -> memref<128xf32, #tpu.memory_space<hbm>>
    %dma_start3A_181 = arith.constant 0 : i32
    %dma_start3A_182 = tpu.memref_slice %arg15[%dma_start3A_181] : memref<512xf32, #tpu.memory_space<vmem>> -> memref<128xf32, #tpu.memory_space<vmem>>
    tpu.enqueue_dma source(%dma_start3A_182 : memref<128xf32, #tpu.memory_space<vmem>>) target(%dma_start3A_180 : memref<128xf32, #tpu.memory_space<hbm>>) target_semaphore(%arg22 : memref<!tpu.dma_semaphore, #tpu.memory_space<semaphore_mem>>)
    %dma_wait3A_183 = arith.constant 1 : i32
    %dma_wait3A_184 = arith.constant 1 : i32
    %dma_wait3A_185 = arith.constant 0 : i32
    %dma_wait3A_186 = arith.constant 0 : i32
    %dma_wait3A_187 = tpu.memref_slice %arg11[%dma_wait3A_184, %dma_wait3A_185, %dma_wait3A_186] : memref<3x128x128xf32, #tpu.memory_space<vmem>> -> memref<1x128x128xf32, #tpu.memory_space<vmem>>
    %dma_wait3A_188 = tpu.memref_squeeze %dma_wait3A_187 : memref<1x128x128xf32, #tpu.memory_space<vmem>> -> memref<128x128xf32, #tpu.memory_space<vmem>>
    %dma_wait3A_189 = arith.constant 0 : i32
    %dma_wait3A_190 = tpu.memref_slice %arg9[%dma_wait3A_183, %dma_wait3A_189] : memref<4x128xi32, #tpu.memory_space<vmem>> -> memref<1x128xi32, #tpu.memory_space<vmem>>
    %dma_wait3A_191 = tpu.memref_squeeze %dma_wait3A_190 : memref<1x128xi32, #tpu.memory_space<vmem>> -> memref<128xi32, #tpu.memory_space<vmem>>
    %dma_wait3A_192 = arith.constant 0 : i32
    %dma_wait3A_193 = arith.constant 0 : i32
    %dma_wait3A_194 = tpu.memref_slice %arg4[%dma_wait3A_192, %dma_wait3A_193] : memref<100000x128xf32, #tpu.memory_space<hbm>> -> memref<100000x128xf32, #tpu.memory_space<hbm>>
    tpu.wait_indirect_dma semaphore(%arg17 : memref<!tpu.dma_semaphore, #tpu.memory_space<semaphore_mem>>) src(%dma_wait3A_194 : memref<100000x128xf32, #tpu.memory_space<hbm>>) dst(%dma_wait3A_188 : memref<128x128xf32, #tpu.memory_space<vmem>>)
    %dma_wait3A_195 = arith.constant 1 : i32
    %dma_wait3A_196 = arith.constant 1 : i32
    %dma_wait3A_197 = arith.constant 0 : i32
    %dma_wait3A_198 = arith.constant 0 : i32
    %dma_wait3A_199 = tpu.memref_slice %arg12[%dma_wait3A_196, %dma_wait3A_197, %dma_wait3A_198] : memref<3x128x128xf32, #tpu.memory_space<vmem>> -> memref<1x128x128xf32, #tpu.memory_space<vmem>>
    %dma_wait3A_200 = tpu.memref_squeeze %dma_wait3A_199 : memref<1x128x128xf32, #tpu.memory_space<vmem>> -> memref<128x128xf32, #tpu.memory_space<vmem>>
    %dma_wait3A_201 = arith.constant 0 : i32
    %dma_wait3A_202 = tpu.memref_slice %arg10[%dma_wait3A_195, %dma_wait3A_201] : memref<4x128xi32, #tpu.memory_space<vmem>> -> memref<1x128xi32, #tpu.memory_space<vmem>>
    %dma_wait3A_203 = tpu.memref_squeeze %dma_wait3A_202 : memref<1x128xi32, #tpu.memory_space<vmem>> -> memref<128xi32, #tpu.memory_space<vmem>>
    %dma_wait3A_204 = arith.constant 0 : i32
    %dma_wait3A_205 = arith.constant 0 : i32
    %dma_wait3A_206 = tpu.memref_slice %arg5[%dma_wait3A_204, %dma_wait3A_205] : memref<100000x128xf32, #tpu.memory_space<hbm>> -> memref<100000x128xf32, #tpu.memory_space<hbm>>
    tpu.wait_indirect_dma semaphore(%arg20 : memref<!tpu.dma_semaphore, #tpu.memory_space<semaphore_mem>>) src(%dma_wait3A_206 : memref<100000x128xf32, #tpu.memory_space<hbm>>) dst(%dma_wait3A_200 : memref<128x128xf32, #tpu.memory_space<vmem>>)
    %dma_start3A_207 = arith.constant 3 : i32
    %dma_start3A_208 = arith.constant 0 : i32
    %dma_start3A_209 = arith.constant 0 : i32
    %dma_start3A_210 = arith.constant 0 : i32
    %dma_start3A_211 = tpu.memref_slice %arg11[%dma_start3A_208, %dma_start3A_209, %dma_start3A_210] : memref<3x128x128xf32, #tpu.memory_space<vmem>> -> memref<1x128x128xf32, #tpu.memory_space<vmem>>
    %dma_start3A_212 = tpu.memref_squeeze %dma_start3A_211 : memref<1x128x128xf32, #tpu.memory_space<vmem>> -> memref<128x128xf32, #tpu.memory_space<vmem>>
    %dma_start3A_213 = arith.constant 0 : i32
    %dma_start3A_214 = tpu.memref_slice %arg9[%dma_start3A_207, %dma_start3A_213] : memref<4x128xi32, #tpu.memory_space<vmem>> -> memref<1x128xi32, #tpu.memory_space<vmem>>
    %dma_start3A_215 = tpu.memref_squeeze %dma_start3A_214 : memref<1x128xi32, #tpu.memory_space<vmem>> -> memref<128xi32, #tpu.memory_space<vmem>>
    %dma_start3A_216 = arith.constant 0 : i32
    %dma_start3A_217 = arith.constant 0 : i32
    %dma_start3A_218 = tpu.memref_slice %arg4[%dma_start3A_216, %dma_start3A_217] : memref<100000x128xf32, #tpu.memory_space<hbm>> -> memref<100000x128xf32, #tpu.memory_space<hbm>>
    tpu.enqueue_indirect_dma source(%dma_start3A_218 : memref<100000x128xf32, #tpu.memory_space<hbm>>) target(%dma_start3A_212 : memref<128x128xf32, #tpu.memory_space<vmem>>) offsets(%dma_start3A_215 : memref<128xi32, #tpu.memory_space<vmem>>) semaphore(%arg16 : memref<!tpu.dma_semaphore, #tpu.memory_space<semaphore_mem>>)
    %dma_start3A_219 = arith.constant 3 : i32
    %dma_start3A_220 = arith.constant 0 : i32
    %dma_start3A_221 = arith.constant 0 : i32
    %dma_start3A_222 = arith.constant 0 : i32
    %dma_start3A_223 = tpu.memref_slice %arg12[%dma_start3A_220, %dma_start3A_221, %dma_start3A_222] : memref<3x128x128xf32, #tpu.memory_space<vmem>> -> memref<1x128x128xf32, #tpu.memory_space<vmem>>
    %dma_start3A_224 = tpu.memref_squeeze %dma_start3A_223 : memref<1x128x128xf32, #tpu.memory_space<vmem>> -> memref<128x128xf32, #tpu.memory_space<vmem>>
    %dma_start3A_225 = arith.constant 0 : i32
    %dma_start3A_226 = tpu.memref_slice %arg10[%dma_start3A_219, %dma_start3A_225] : memref<4x128xi32, #tpu.memory_space<vmem>> -> memref<1x128xi32, #tpu.memory_space<vmem>>
    %dma_start3A_227 = tpu.memref_squeeze %dma_start3A_226 : memref<1x128xi32, #tpu.memory_space<vmem>> -> memref<128xi32, #tpu.memory_space<vmem>>
    %dma_start3A_228 = arith.constant 0 : i32
    %dma_start3A_229 = arith.constant 0 : i32
    %dma_start3A_230 = tpu.memref_slice %arg5[%dma_start3A_228, %dma_start3A_229] : memref<100000x128xf32, #tpu.memory_space<hbm>> -> memref<100000x128xf32, #tpu.memory_space<hbm>>
    tpu.enqueue_indirect_dma source(%dma_start3A_230 : memref<100000x128xf32, #tpu.memory_space<hbm>>) target(%dma_start3A_224 : memref<128x128xf32, #tpu.memory_space<vmem>>) offsets(%dma_start3A_227 : memref<128xi32, #tpu.memory_space<vmem>>) semaphore(%arg19 : memref<!tpu.dma_semaphore, #tpu.memory_space<semaphore_mem>>)
    %parallel_loop3A_231 = arith.constant 0 : i32
    %parallel_loop3A_232 = arith.constant 8 : i32
    %parallel_loop3A_233 = arith.constant 1 : i32
    scf.for %parallel_loop3A_358 = %parallel_loop3A_231 to %parallel_loop3A_232 step %parallel_loop3A_233  : i32 {
      %parallel_loop3A_359 = arith.constant 0 : i32
      %parallel_loop3A_360 = arith.constant 16 : i32
      %parallel_loop3A_361 = arith.constant 1 : i32
      %parallel_loop3A_362 = scf.for %parallel_loop3A_370 = %parallel_loop3A_359 to %parallel_loop3A_360 step %parallel_loop3A_361 iter_args(%parallel_loop3A_371 = %get3A_79) -> (vector<16xf32>)  : i32 {
        %parallel_loop3A_372 = arith.constant 16 : i32
        %parallel_loop3A_373 = arith.muli %parallel_loop3A_358, %parallel_loop3A_372 : i32
        %parallel_loop3A_374 = arith.addi %parallel_loop3A_373, %parallel_loop3A_370 : i32
        %parallel_loop3A_375 = arith.constant 1 : i32
        %parallel_loop3A_376 = arith.index_cast %parallel_loop3A_375 : i32 to index
        %parallel_loop3A_377 = arith.index_cast %parallel_loop3A_374 : i32 to index
        %parallel_loop3A_378 = arith.constant 0 : index
        %parallel_loop3A_379 = tpu.vector_load %arg11[%parallel_loop3A_376, %parallel_loop3A_377, %parallel_loop3A_378] {strides = array<i32>} : memref<3x128x128xf32, #tpu.memory_space<vmem>>, vector<16xf32>,
        %parallel_loop3A_380 = arith.constant 1 : i32
        %parallel_loop3A_381 = arith.index_cast %parallel_loop3A_380 : i32 to index
        %parallel_loop3A_382 = arith.index_cast %parallel_loop3A_374 : i32 to index
        %parallel_loop3A_383 = arith.constant 0 : index
        %parallel_loop3A_384 = tpu.vector_load %arg12[%parallel_loop3A_381, %parallel_loop3A_382, %parallel_loop3A_383] {strides = array<i32>} : memref<3x128x128xf32, #tpu.memory_space<vmem>>, vector<16xf32>,
        %parallel_loop3A_385 = arith.mulf %parallel_loop3A_379, %parallel_loop3A_384 : vector<16xf32>
        %parallel_loop3A_386 = arith.mulf %parallel_loop3A_385, %get3A_83 : vector<16xf32>
        %parallel_loop3A_387 = arith.constant 1 : i32
        %parallel_loop3A_388 = arith.index_cast %parallel_loop3A_387 : i32 to index
        %parallel_loop3A_389 = arith.index_cast %parallel_loop3A_374 : i32 to index
        %parallel_loop3A_390 = arith.constant 16 : index
        %parallel_loop3A_391 = tpu.vector_load %arg11[%parallel_loop3A_388, %parallel_loop3A_389, %parallel_loop3A_390] {strides = array<i32>} : memref<3x128x128xf32, #tpu.memory_space<vmem>>, vector<16xf32>,
        %parallel_loop3A_392 = arith.constant 1 : i32
        %parallel_loop3A_393 = arith.index_cast %parallel_loop3A_392 : i32 to index
        %parallel_loop3A_394 = arith.index_cast %parallel_loop3A_374 : i32 to index
        %parallel_loop3A_395 = arith.constant 16 : index
        %parallel_loop3A_396 = tpu.vector_load %arg12[%parallel_loop3A_393, %parallel_loop3A_394, %parallel_loop3A_395] {strides = array<i32>} : memref<3x128x128xf32, #tpu.memory_space<vmem>>, vector<16xf32>,
        %parallel_loop3A_397 = arith.mulf %parallel_loop3A_391, %parallel_loop3A_396 : vector<16xf32>
        %parallel_loop3A_398 = arith.mulf %parallel_loop3A_397, %get3A_87 : vector<16xf32>
        %parallel_loop3A_399 = arith.addf %parallel_loop3A_386, %parallel_loop3A_398 : vector<16xf32>
        %parallel_loop3A_400 = arith.constant 1 : i32
        %parallel_loop3A_401 = arith.index_cast %parallel_loop3A_400 : i32 to index
        %parallel_loop3A_402 = arith.index_cast %parallel_loop3A_374 : i32 to index
        %parallel_loop3A_403 = arith.constant 32 : index
        %parallel_loop3A_404 = tpu.vector_load %arg11[%parallel_loop3A_401, %parallel_loop3A_402, %parallel_loop3A_403] {strides = array<i32>} : memref<3x128x128xf32, #tpu.memory_space<vmem>>, vector<16xf32>,
        %parallel_loop3A_405 = arith.constant 1 : i32
        %parallel_loop3A_406 = arith.index_cast %parallel_loop3A_405 : i32 to index
        %parallel_loop3A_407 = arith.index_cast %parallel_loop3A_374 : i32 to index
        %parallel_loop3A_408 = arith.constant 32 : index
        %parallel_loop3A_409 = tpu.vector_load %arg12[%parallel_loop3A_406, %parallel_loop3A_407, %parallel_loop3A_408] {strides = array<i32>} : memref<3x128x128xf32, #tpu.memory_space<vmem>>, vector<16xf32>,
        %parallel_loop3A_410 = arith.mulf %parallel_loop3A_404, %parallel_loop3A_409 : vector<16xf32>
        %parallel_loop3A_411 = arith.mulf %parallel_loop3A_410, %get3A_91 : vector<16xf32>
        %parallel_loop3A_412 = arith.addf %parallel_loop3A_399, %parallel_loop3A_411 : vector<16xf32>
        %parallel_loop3A_413 = arith.constant 1 : i32
        %parallel_loop3A_414 = arith.index_cast %parallel_loop3A_413 : i32 to index
        %parallel_loop3A_415 = arith.index_cast %parallel_loop3A_374 : i32 to index
        %parallel_loop3A_416 = arith.constant 48 : index
        %parallel_loop3A_417 = tpu.vector_load %arg11[%parallel_loop3A_414, %parallel_loop3A_415, %parallel_loop3A_416] {strides = array<i32>} : memref<3x128x128xf32, #tpu.memory_space<vmem>>, vector<16xf32>,
        %parallel_loop3A_418 = arith.constant 1 : i32
        %parallel_loop3A_419 = arith.index_cast %parallel_loop3A_418 : i32 to index
        %parallel_loop3A_420 = arith.index_cast %parallel_loop3A_374 : i32 to index
        %parallel_loop3A_421 = arith.constant 48 : index
        %parallel_loop3A_422 = tpu.vector_load %arg12[%parallel_loop3A_419, %parallel_loop3A_420, %parallel_loop3A_421] {strides = array<i32>} : memref<3x128x128xf32, #tpu.memory_space<vmem>>, vector<16xf32>,
        %parallel_loop3A_423 = arith.mulf %parallel_loop3A_417, %parallel_loop3A_422 : vector<16xf32>
        %parallel_loop3A_424 = arith.mulf %parallel_loop3A_423, %get3A_95 : vector<16xf32>
        %parallel_loop3A_425 = arith.addf %parallel_loop3A_412, %parallel_loop3A_424 : vector<16xf32>
        %parallel_loop3A_426 = arith.constant 1 : i32
        %parallel_loop3A_427 = arith.index_cast %parallel_loop3A_426 : i32 to index
        %parallel_loop3A_428 = arith.index_cast %parallel_loop3A_374 : i32 to index
        %parallel_loop3A_429 = arith.constant 64 : index
        %parallel_loop3A_430 = tpu.vector_load %arg11[%parallel_loop3A_427, %parallel_loop3A_428, %parallel_loop3A_429] {strides = array<i32>} : memref<3x128x128xf32, #tpu.memory_space<vmem>>, vector<16xf32>,
        %parallel_loop3A_431 = arith.constant 1 : i32
        %parallel_loop3A_432 = arith.index_cast %parallel_loop3A_431 : i32 to index
        %parallel_loop3A_433 = arith.index_cast %parallel_loop3A_374 : i32 to index
        %parallel_loop3A_434 = arith.constant 64 : index
        %parallel_loop3A_435 = tpu.vector_load %arg12[%parallel_loop3A_432, %parallel_loop3A_433, %parallel_loop3A_434] {strides = array<i32>} : memref<3x128x128xf32, #tpu.memory_space<vmem>>, vector<16xf32>,
        %parallel_loop3A_436 = arith.mulf %parallel_loop3A_430, %parallel_loop3A_435 : vector<16xf32>
        %parallel_loop3A_437 = arith.mulf %parallel_loop3A_436, %get3A_99 : vector<16xf32>
        %parallel_loop3A_438 = arith.addf %parallel_loop3A_425, %parallel_loop3A_437 : vector<16xf32>
        %parallel_loop3A_439 = arith.constant 1 : i32
        %parallel_loop3A_440 = arith.index_cast %parallel_loop3A_439 : i32 to index
        %parallel_loop3A_441 = arith.index_cast %parallel_loop3A_374 : i32 to index
        %parallel_loop3A_442 = arith.constant 80 : index
        %parallel_loop3A_443 = tpu.vector_load %arg11[%parallel_loop3A_440, %parallel_loop3A_441, %parallel_loop3A_442] {strides = array<i32>} : memref<3x128x128xf32, #tpu.memory_space<vmem>>, vector<16xf32>,
        %parallel_loop3A_444 = arith.constant 1 : i32
        %parallel_loop3A_445 = arith.index_cast %parallel_loop3A_444 : i32 to index
        %parallel_loop3A_446 = arith.index_cast %parallel_loop3A_374 : i32 to index
        %parallel_loop3A_447 = arith.constant 80 : index
        %parallel_loop3A_448 = tpu.vector_load %arg12[%parallel_loop3A_445, %parallel_loop3A_446, %parallel_loop3A_447] {strides = array<i32>} : memref<3x128x128xf32, #tpu.memory_space<vmem>>, vector<16xf32>,
        %parallel_loop3A_449 = arith.mulf %parallel_loop3A_443, %parallel_loop3A_448 : vector<16xf32>
        %parallel_loop3A_450 = arith.mulf %parallel_loop3A_449, %get3A_103 : vector<16xf32>
        %parallel_loop3A_451 = arith.addf %parallel_loop3A_438, %parallel_loop3A_450 : vector<16xf32>
        %parallel_loop3A_452 = arith.constant 1 : i32
        %parallel_loop3A_453 = arith.index_cast %parallel_loop3A_452 : i32 to index
        %parallel_loop3A_454 = arith.index_cast %parallel_loop3A_374 : i32 to index
        %parallel_loop3A_455 = arith.constant 96 : index
        %parallel_loop3A_456 = tpu.vector_load %arg11[%parallel_loop3A_453, %parallel_loop3A_454, %parallel_loop3A_455] {strides = array<i32>} : memref<3x128x128xf32, #tpu.memory_space<vmem>>, vector<16xf32>,
        %parallel_loop3A_457 = arith.constant 1 : i32
        %parallel_loop3A_458 = arith.index_cast %parallel_loop3A_457 : i32 to index
        %parallel_loop3A_459 = arith.index_cast %parallel_loop3A_374 : i32 to index
        %parallel_loop3A_460 = arith.constant 96 : index
        %parallel_loop3A_461 = tpu.vector_load %arg12[%parallel_loop3A_458, %parallel_loop3A_459, %parallel_loop3A_460] {strides = array<i32>} : memref<3x128x128xf32, #tpu.memory_space<vmem>>, vector<16xf32>,
        %parallel_loop3A_462 = arith.mulf %parallel_loop3A_456, %parallel_loop3A_461 : vector<16xf32>
        %parallel_loop3A_463 = arith.mulf %parallel_loop3A_462, %get3A_107 : vector<16xf32>
        %parallel_loop3A_464 = arith.addf %parallel_loop3A_451, %parallel_loop3A_463 : vector<16xf32>
        %parallel_loop3A_465 = arith.constant 1 : i32
        %parallel_loop3A_466 = arith.index_cast %parallel_loop3A_465 : i32 to index
        %parallel_loop3A_467 = arith.index_cast %parallel_loop3A_374 : i32 to index
        %parallel_loop3A_468 = arith.constant 112 : index
        %parallel_loop3A_469 = tpu.vector_load %arg11[%parallel_loop3A_466, %parallel_loop3A_467, %parallel_loop3A_468] {strides = array<i32>} : memref<3x128x128xf32, #tpu.memory_space<vmem>>, vector<16xf32>,
        %parallel_loop3A_470 = arith.constant 1 : i32
        %parallel_loop3A_471 = arith.index_cast %parallel_loop3A_470 : i32 to index
        %parallel_loop3A_472 = arith.index_cast %parallel_loop3A_374 : i32 to index
        %parallel_loop3A_473 = arith.constant 112 : index
        %parallel_loop3A_474 = tpu.vector_load %arg12[%parallel_loop3A_471, %parallel_loop3A_472, %parallel_loop3A_473] {strides = array<i32>} : memref<3x128x128xf32, #tpu.memory_space<vmem>>, vector<16xf32>,
        %parallel_loop3A_475 = arith.mulf %parallel_loop3A_469, %parallel_loop3A_474 : vector<16xf32>
        %parallel_loop3A_476 = arith.mulf %parallel_loop3A_475, %get3A_111 : vector<16xf32>
        %parallel_loop3A_477 = arith.addf %parallel_loop3A_464, %parallel_loop3A_476 : vector<16xf32>
        %parallel_loop3A_478 = arith.constant 0 : i32
        %parallel_loop3A_479 = vector.broadcast %parallel_loop3A_478 : i32 to vector<16xi32>
        %parallel_loop3A_480 = arith.cmpi slt, %xor3A_122, %parallel_loop3A_479 : vector<16xi32>
        %parallel_loop3A_481 = arith.constant 16 : i32
        %parallel_loop3A_482 = vector.broadcast %parallel_loop3A_481 : i32 to vector<16xi32>
        %parallel_loop3A_483 = arith.addi %xor3A_122, %parallel_loop3A_482 : vector<16xi32>
        %parallel_loop3A_484 = arith.select %parallel_loop3A_480, %parallel_loop3A_483, %xor3A_122 : vector<16xi1>, vector<16xi32>
        %parallel_loop3A_485 = vector.shape_cast %parallel_loop3A_484 : vector<16xi32> to vector<16x1xi32>
        %parallel_loop3A_486 = vector.shape_cast %parallel_loop3A_485 : vector<16x1xi32> to vector<16xi32>
        %parallel_loop3A_487 = tpu.dynamic_gather %parallel_loop3A_477[%parallel_loop3A_486] in [0] : vector<16xf32>, vector<16xi32> -> vector<16xf32>
        %parallel_loop3A_488 = arith.addf %parallel_loop3A_477, %parallel_loop3A_487 : vector<16xf32>
        %parallel_loop3A_489 = arith.constant 0 : i32
        %parallel_loop3A_490 = vector.broadcast %parallel_loop3A_489 : i32 to vector<16xi32>
        %parallel_loop3A_491 = arith.cmpi slt, %xor3A_119, %parallel_loop3A_490 : vector<16xi32>
        %parallel_loop3A_492 = arith.constant 16 : i32
        %parallel_loop3A_493 = vector.broadcast %parallel_loop3A_492 : i32 to vector<16xi32>
        %parallel_loop3A_494 = arith.addi %xor3A_119, %parallel_loop3A_493 : vector<16xi32>
        %parallel_loop3A_495 = arith.select %parallel_loop3A_491, %parallel_loop3A_494, %xor3A_119 : vector<16xi1>, vector<16xi32>
        %parallel_loop3A_496 = vector.shape_cast %parallel_loop3A_495 : vector<16xi32> to vector<16x1xi32>
        %parallel_loop3A_497 = vector.shape_cast %parallel_loop3A_496 : vector<16x1xi32> to vector<16xi32>
        %parallel_loop3A_498 = tpu.dynamic_gather %parallel_loop3A_488[%parallel_loop3A_497] in [0] : vector<16xf32>, vector<16xi32> -> vector<16xf32>
        %parallel_loop3A_499 = arith.addf %parallel_loop3A_488, %parallel_loop3A_498 : vector<16xf32>
        %parallel_loop3A_500 = arith.constant 0 : i32
        %parallel_loop3A_501 = vector.broadcast %parallel_loop3A_500 : i32 to vector<16xi32>
        %parallel_loop3A_502 = arith.cmpi slt, %xor3A_116, %parallel_loop3A_501 : vector<16xi32>
        %parallel_loop3A_503 = arith.constant 16 : i32
        %parallel_loop3A_504 = vector.broadcast %parallel_loop3A_503 : i32 to vector<16xi32>
        %parallel_loop3A_505 = arith.addi %xor3A_116, %parallel_loop3A_504 : vector<16xi32>
        %parallel_loop3A_506 = arith.select %parallel_loop3A_502, %parallel_loop3A_505, %xor3A_116 : vector<16xi1>, vector<16xi32>
        %parallel_loop3A_507 = vector.shape_cast %parallel_loop3A_506 : vector<16xi32> to vector<16x1xi32>
        %parallel_loop3A_508 = vector.shape_cast %parallel_loop3A_507 : vector<16x1xi32> to vector<16xi32>
        %parallel_loop3A_509 = tpu.dynamic_gather %parallel_loop3A_499[%parallel_loop3A_508] in [0] : vector<16xf32>, vector<16xi32> -> vector<16xf32>
        %parallel_loop3A_510 = arith.addf %parallel_loop3A_499, %parallel_loop3A_509 : vector<16xf32>
        %parallel_loop3A_511 = arith.constant 0 : i32
        %parallel_loop3A_512 = vector.broadcast %parallel_loop3A_511 : i32 to vector<16xi32>
        %parallel_loop3A_513 = arith.cmpi slt, %xor3A_113, %parallel_loop3A_512 : vector<16xi32>
        %parallel_loop3A_514 = arith.constant 16 : i32
        %parallel_loop3A_515 = vector.broadcast %parallel_loop3A_514 : i32 to vector<16xi32>
        %parallel_loop3A_516 = arith.addi %xor3A_113, %parallel_loop3A_515 : vector<16xi32>
        %parallel_loop3A_517 = arith.select %parallel_loop3A_513, %parallel_loop3A_516, %xor3A_113 : vector<16xi1>, vector<16xi32>
        %parallel_loop3A_518 = vector.shape_cast %parallel_loop3A_517 : vector<16xi32> to vector<16x1xi32>
        %parallel_loop3A_519 = vector.shape_cast %parallel_loop3A_518 : vector<16x1xi32> to vector<16xi32>
        %parallel_loop3A_520 = tpu.dynamic_gather %parallel_loop3A_510[%parallel_loop3A_519] in [0] : vector<16xf32>, vector<16xi32> -> vector<16xf32>
        %parallel_loop3A_521 = arith.addf %parallel_loop3A_510, %parallel_loop3A_520 : vector<16xf32>
        %parallel_loop3A_522 = vector.broadcast %parallel_loop3A_370 : i32 to vector<16xi32>
        %parallel_loop3A_523 = arith.cmpi eq, %iota3A, %parallel_loop3A_522 : vector<16xi32>
        %parallel_loop3A_524 = arith.select %parallel_loop3A_523, %parallel_loop3A_521, %parallel_loop3A_371 : vector<16xi1>, vector<16xf32>
        scf.yield %parallel_loop3A_524 : vector<16xf32>
      } {sc.loop_unroll_factor = 2 : i64, sc.parallel_access}
      %parallel_loop3A_363 = arith.constant 16 : i32
      %parallel_loop3A_364 = arith.muli %parallel_loop3A_358, %parallel_loop3A_363 : i32
      %parallel_loop3A_365 = arith.constant 128 : i32
      %parallel_loop3A_366 = arith.addi %parallel_loop3A_365, %parallel_loop3A_364 : i32
      %parallel_loop3A_367 = tpu.assume_multiple %parallel_loop3A_366, 16 : i32
      %parallel_loop3A_368 = arith.index_cast %parallel_loop3A_367 : i32 to index
      %parallel_loop3A_369 = tpu.vector_load %arg15[%parallel_loop3A_368] {strides = array<i32>} : memref<512xf32, #tpu.memory_space<vmem>>, vector<16xf32>,
      tpu.vector_store %arg15[%parallel_loop3A_368], %parallel_loop3A_362 {strides = array<i32>} : memref<512xf32, #tpu.memory_space<vmem>>, vector<16xf32>,
    } {sc.loop_unroll_factor = 1 : i64, sc.parallel_access}
    %dma_start3A_234 = arith.constant 128 : i32
    %dma_start3A_235 = tpu.memref_slice %arg15[%dma_start3A_234] : memref<512xf32, #tpu.memory_space<vmem>> -> memref<128xf32, #tpu.memory_space<vmem>>
    %dma_start3A_236 = arith.constant 128 : i32
    %dma_start3A_237 = tpu.memref_slice %arg8[%add3A, %dma_start3A_236] : memref<32x512xf32, #tpu.memory_space<hbm>> -> memref<1x128xf32, #tpu.memory_space<hbm>>
    %dma_start3A_238 = tpu.memref_squeeze %dma_start3A_237 : memref<1x128xf32, #tpu.memory_space<hbm>> -> memref<128xf32, #tpu.memory_space<hbm>>
    %dma_start3A_239 = arith.constant 128 : i32
    %dma_start3A_240 = tpu.memref_slice %arg8[%add3A, %dma_start3A_239] : memref<32x512xf32, #tpu.memory_space<hbm>> -> memref<1x128xf32, #tpu.memory_space<hbm>>
    %dma_start3A_241 = tpu.memref_squeeze %dma_start3A_240 : memref<1x128xf32, #tpu.memory_space<hbm>> -> memref<128xf32, #tpu.memory_space<hbm>>
    %dma_start3A_242 = arith.constant 128 : i32
    %dma_start3A_243 = tpu.memref_slice %arg15[%dma_start3A_242] : memref<512xf32, #tpu.memory_space<vmem>> -> memref<128xf32, #tpu.memory_space<vmem>>
    tpu.enqueue_dma source(%dma_start3A_243 : memref<128xf32, #tpu.memory_space<vmem>>) target(%dma_start3A_241 : memref<128xf32, #tpu.memory_space<hbm>>) target_semaphore(%arg23 : memref<!tpu.dma_semaphore, #tpu.memory_space<semaphore_mem>>)
    %dma_wait3A_244 = arith.constant 2 : i32
    %dma_wait3A_245 = arith.constant 2 : i32
    %dma_wait3A_246 = arith.constant 0 : i32
    %dma_wait3A_247 = arith.constant 0 : i32
    %dma_wait3A_248 = tpu.memref_slice %arg11[%dma_wait3A_245, %dma_wait3A_246, %dma_wait3A_247] : memref<3x128x128xf32, #tpu.memory_space<vmem>> -> memref<1x128x128xf32, #tpu.memory_space<vmem>>
    %dma_wait3A_249 = tpu.memref_squeeze %dma_wait3A_248 : memref<1x128x128xf32, #tpu.memory_space<vmem>> -> memref<128x128xf32, #tpu.memory_space<vmem>>
    %dma_wait3A_250 = arith.constant 0 : i32
    %dma_wait3A_251 = tpu.memref_slice %arg9[%dma_wait3A_244, %dma_wait3A_250] : memref<4x128xi32, #tpu.memory_space<vmem>> -> memref<1x128xi32, #tpu.memory_space<vmem>>
    %dma_wait3A_252 = tpu.memref_squeeze %dma_wait3A_251 : memref<1x128xi32, #tpu.memory_space<vmem>> -> memref<128xi32, #tpu.memory_space<vmem>>
    %dma_wait3A_253 = arith.constant 0 : i32
    %dma_wait3A_254 = arith.constant 0 : i32
    %dma_wait3A_255 = tpu.memref_slice %arg4[%dma_wait3A_253, %dma_wait3A_254] : memref<100000x128xf32, #tpu.memory_space<hbm>> -> memref<100000x128xf32, #tpu.memory_space<hbm>>
    tpu.wait_indirect_dma semaphore(%arg18 : memref<!tpu.dma_semaphore, #tpu.memory_space<semaphore_mem>>) src(%dma_wait3A_255 : memref<100000x128xf32, #tpu.memory_space<hbm>>) dst(%dma_wait3A_249 : memref<128x128xf32, #tpu.memory_space<vmem>>)
    %dma_wait3A_256 = arith.constant 2 : i32
    %dma_wait3A_257 = arith.constant 2 : i32
    %dma_wait3A_258 = arith.constant 0 : i32
    %dma_wait3A_259 = arith.constant 0 : i32
    %dma_wait3A_260 = tpu.memref_slice %arg12[%dma_wait3A_257, %dma_wait3A_258, %dma_wait3A_259] : memref<3x128x128xf32, #tpu.memory_space<vmem>> -> memref<1x128x128xf32, #tpu.memory_space<vmem>>
    %dma_wait3A_261 = tpu.memref_squeeze %dma_wait3A_260 : memref<1x128x128xf32, #tpu.memory_space<vmem>> -> memref<128x128xf32, #tpu.memory_space<vmem>>
    %dma_wait3A_262 = arith.constant 0 : i32
    %dma_wait3A_263 = tpu.memref_slice %arg10[%dma_wait3A_256, %dma_wait3A_262] : memref<4x128xi32, #tpu.memory_space<vmem>> -> memref<1x128xi32, #tpu.memory_space<vmem>>
    %dma_wait3A_264 = tpu.memref_squeeze %dma_wait3A_263 : memref<1x128xi32, #tpu.memory_space<vmem>> -> memref<128xi32, #tpu.memory_space<vmem>>
    %dma_wait3A_265 = arith.constant 0 : i32
    %dma_wait3A_266 = arith.constant 0 : i32
    %dma_wait3A_267 = tpu.memref_slice %arg5[%dma_wait3A_265, %dma_wait3A_266] : memref<100000x128xf32, #tpu.memory_space<hbm>> -> memref<100000x128xf32, #tpu.memory_space<hbm>>
    tpu.wait_indirect_dma semaphore(%arg21 : memref<!tpu.dma_semaphore, #tpu.memory_space<semaphore_mem>>) src(%dma_wait3A_267 : memref<100000x128xf32, #tpu.memory_space<hbm>>) dst(%dma_wait3A_261 : memref<128x128xf32, #tpu.memory_space<vmem>>)
    %parallel_loop3A_268 = arith.constant 0 : i32
    %parallel_loop3A_269 = arith.constant 8 : i32
    %parallel_loop3A_270 = arith.constant 1 : i32
    scf.for %parallel_loop3A_358 = %parallel_loop3A_268 to %parallel_loop3A_269 step %parallel_loop3A_270  : i32 {
      %parallel_loop3A_359 = arith.constant 0 : i32
      %parallel_loop3A_360 = arith.constant 16 : i32
      %parallel_loop3A_361 = arith.constant 1 : i32
      %parallel_loop3A_362 = scf.for %parallel_loop3A_370 = %parallel_loop3A_359 to %parallel_loop3A_360 step %parallel_loop3A_361 iter_args(%parallel_loop3A_371 = %get3A_79) -> (vector<16xf32>)  : i32 {
        %parallel_loop3A_372 = arith.constant 16 : i32
        %parallel_loop3A_373 = arith.muli %parallel_loop3A_358, %parallel_loop3A_372 : i32
        %parallel_loop3A_374 = arith.addi %parallel_loop3A_373, %parallel_loop3A_370 : i32
        %parallel_loop3A_375 = arith.constant 2 : i32
        %parallel_loop3A_376 = arith.index_cast %parallel_loop3A_375 : i32 to index
        %parallel_loop3A_377 = arith.index_cast %parallel_loop3A_374 : i32 to index
        %parallel_loop3A_378 = arith.constant 0 : index
        %parallel_loop3A_379 = tpu.vector_load %arg11[%parallel_loop3A_376, %parallel_loop3A_377, %parallel_loop3A_378] {strides = array<i32>} : memref<3x128x128xf32, #tpu.memory_space<vmem>>, vector<16xf32>,
        %parallel_loop3A_380 = arith.constant 2 : i32
        %parallel_loop3A_381 = arith.index_cast %parallel_loop3A_380 : i32 to index
        %parallel_loop3A_382 = arith.index_cast %parallel_loop3A_374 : i32 to index
        %parallel_loop3A_383 = arith.constant 0 : index
        %parallel_loop3A_384 = tpu.vector_load %arg12[%parallel_loop3A_381, %parallel_loop3A_382, %parallel_loop3A_383] {strides = array<i32>} : memref<3x128x128xf32, #tpu.memory_space<vmem>>, vector<16xf32>,
        %parallel_loop3A_385 = arith.mulf %parallel_loop3A_379, %parallel_loop3A_384 : vector<16xf32>
        %parallel_loop3A_386 = arith.mulf %parallel_loop3A_385, %get3A_83 : vector<16xf32>
        %parallel_loop3A_387 = arith.constant 2 : i32
        %parallel_loop3A_388 = arith.index_cast %parallel_loop3A_387 : i32 to index
        %parallel_loop3A_389 = arith.index_cast %parallel_loop3A_374 : i32 to index
        %parallel_loop3A_390 = arith.constant 16 : index
        %parallel_loop3A_391 = tpu.vector_load %arg11[%parallel_loop3A_388, %parallel_loop3A_389, %parallel_loop3A_390] {strides = array<i32>} : memref<3x128x128xf32, #tpu.memory_space<vmem>>, vector<16xf32>,
        %parallel_loop3A_392 = arith.constant 2 : i32
        %parallel_loop3A_393 = arith.index_cast %parallel_loop3A_392 : i32 to index
        %parallel_loop3A_394 = arith.index_cast %parallel_loop3A_374 : i32 to index
        %parallel_loop3A_395 = arith.constant 16 : index
        %parallel_loop3A_396 = tpu.vector_load %arg12[%parallel_loop3A_393, %parallel_loop3A_394, %parallel_loop3A_395] {strides = array<i32>} : memref<3x128x128xf32, #tpu.memory_space<vmem>>, vector<16xf32>,
        %parallel_loop3A_397 = arith.mulf %parallel_loop3A_391, %parallel_loop3A_396 : vector<16xf32>
        %parallel_loop3A_398 = arith.mulf %parallel_loop3A_397, %get3A_87 : vector<16xf32>
        %parallel_loop3A_399 = arith.addf %parallel_loop3A_386, %parallel_loop3A_398 : vector<16xf32>
        %parallel_loop3A_400 = arith.constant 2 : i32
        %parallel_loop3A_401 = arith.index_cast %parallel_loop3A_400 : i32 to index
        %parallel_loop3A_402 = arith.index_cast %parallel_loop3A_374 : i32 to index
        %parallel_loop3A_403 = arith.constant 32 : index
        %parallel_loop3A_404 = tpu.vector_load %arg11[%parallel_loop3A_401, %parallel_loop3A_402, %parallel_loop3A_403] {strides = array<i32>} : memref<3x128x128xf32, #tpu.memory_space<vmem>>, vector<16xf32>,
        %parallel_loop3A_405 = arith.constant 2 : i32
        %parallel_loop3A_406 = arith.index_cast %parallel_loop3A_405 : i32 to index
        %parallel_loop3A_407 = arith.index_cast %parallel_loop3A_374 : i32 to index
        %parallel_loop3A_408 = arith.constant 32 : index
        %parallel_loop3A_409 = tpu.vector_load %arg12[%parallel_loop3A_406, %parallel_loop3A_407, %parallel_loop3A_408] {strides = array<i32>} : memref<3x128x128xf32, #tpu.memory_space<vmem>>, vector<16xf32>,
        %parallel_loop3A_410 = arith.mulf %parallel_loop3A_404, %parallel_loop3A_409 : vector<16xf32>
        %parallel_loop3A_411 = arith.mulf %parallel_loop3A_410, %get3A_91 : vector<16xf32>
        %parallel_loop3A_412 = arith.addf %parallel_loop3A_399, %parallel_loop3A_411 : vector<16xf32>
        %parallel_loop3A_413 = arith.constant 2 : i32
        %parallel_loop3A_414 = arith.index_cast %parallel_loop3A_413 : i32 to index
        %parallel_loop3A_415 = arith.index_cast %parallel_loop3A_374 : i32 to index
        %parallel_loop3A_416 = arith.constant 48 : index
        %parallel_loop3A_417 = tpu.vector_load %arg11[%parallel_loop3A_414, %parallel_loop3A_415, %parallel_loop3A_416] {strides = array<i32>} : memref<3x128x128xf32, #tpu.memory_space<vmem>>, vector<16xf32>,
        %parallel_loop3A_418 = arith.constant 2 : i32
        %parallel_loop3A_419 = arith.index_cast %parallel_loop3A_418 : i32 to index
        %parallel_loop3A_420 = arith.index_cast %parallel_loop3A_374 : i32 to index
        %parallel_loop3A_421 = arith.constant 48 : index
        %parallel_loop3A_422 = tpu.vector_load %arg12[%parallel_loop3A_419, %parallel_loop3A_420, %parallel_loop3A_421] {strides = array<i32>} : memref<3x128x128xf32, #tpu.memory_space<vmem>>, vector<16xf32>,
        %parallel_loop3A_423 = arith.mulf %parallel_loop3A_417, %parallel_loop3A_422 : vector<16xf32>
        %parallel_loop3A_424 = arith.mulf %parallel_loop3A_423, %get3A_95 : vector<16xf32>
        %parallel_loop3A_425 = arith.addf %parallel_loop3A_412, %parallel_loop3A_424 : vector<16xf32>
        %parallel_loop3A_426 = arith.constant 2 : i32
        %parallel_loop3A_427 = arith.index_cast %parallel_loop3A_426 : i32 to index
        %parallel_loop3A_428 = arith.index_cast %parallel_loop3A_374 : i32 to index
        %parallel_loop3A_429 = arith.constant 64 : index
        %parallel_loop3A_430 = tpu.vector_load %arg11[%parallel_loop3A_427, %parallel_loop3A_428, %parallel_loop3A_429] {strides = array<i32>} : memref<3x128x128xf32, #tpu.memory_space<vmem>>, vector<16xf32>,
        %parallel_loop3A_431 = arith.constant 2 : i32
        %parallel_loop3A_432 = arith.index_cast %parallel_loop3A_431 : i32 to index
        %parallel_loop3A_433 = arith.index_cast %parallel_loop3A_374 : i32 to index
        %parallel_loop3A_434 = arith.constant 64 : index
        %parallel_loop3A_435 = tpu.vector_load %arg12[%parallel_loop3A_432, %parallel_loop3A_433, %parallel_loop3A_434] {strides = array<i32>} : memref<3x128x128xf32, #tpu.memory_space<vmem>>, vector<16xf32>,
        %parallel_loop3A_436 = arith.mulf %parallel_loop3A_430, %parallel_loop3A_435 : vector<16xf32>
        %parallel_loop3A_437 = arith.mulf %parallel_loop3A_436, %get3A_99 : vector<16xf32>
        %parallel_loop3A_438 = arith.addf %parallel_loop3A_425, %parallel_loop3A_437 : vector<16xf32>
        %parallel_loop3A_439 = arith.constant 2 : i32
        %parallel_loop3A_440 = arith.index_cast %parallel_loop3A_439 : i32 to index
        %parallel_loop3A_441 = arith.index_cast %parallel_loop3A_374 : i32 to index
        %parallel_loop3A_442 = arith.constant 80 : index
        %parallel_loop3A_443 = tpu.vector_load %arg11[%parallel_loop3A_440, %parallel_loop3A_441, %parallel_loop3A_442] {strides = array<i32>} : memref<3x128x128xf32, #tpu.memory_space<vmem>>, vector<16xf32>,
        %parallel_loop3A_444 = arith.constant 2 : i32
        %parallel_loop3A_445 = arith.index_cast %parallel_loop3A_444 : i32 to index
        %parallel_loop3A_446 = arith.index_cast %parallel_loop3A_374 : i32 to index
        %parallel_loop3A_447 = arith.constant 80 : index
        %parallel_loop3A_448 = tpu.vector_load %arg12[%parallel_loop3A_445, %parallel_loop3A_446, %parallel_loop3A_447] {strides = array<i32>} : memref<3x128x128xf32, #tpu.memory_space<vmem>>, vector<16xf32>,
        %parallel_loop3A_449 = arith.mulf %parallel_loop3A_443, %parallel_loop3A_448 : vector<16xf32>
        %parallel_loop3A_450 = arith.mulf %parallel_loop3A_449, %get3A_103 : vector<16xf32>
        %parallel_loop3A_451 = arith.addf %parallel_loop3A_438, %parallel_loop3A_450 : vector<16xf32>
        %parallel_loop3A_452 = arith.constant 2 : i32
        %parallel_loop3A_453 = arith.index_cast %parallel_loop3A_452 : i32 to index
        %parallel_loop3A_454 = arith.index_cast %parallel_loop3A_374 : i32 to index
        %parallel_loop3A_455 = arith.constant 96 : index
        %parallel_loop3A_456 = tpu.vector_load %arg11[%parallel_loop3A_453, %parallel_loop3A_454, %parallel_loop3A_455] {strides = array<i32>} : memref<3x128x128xf32, #tpu.memory_space<vmem>>, vector<16xf32>,
        %parallel_loop3A_457 = arith.constant 2 : i32
        %parallel_loop3A_458 = arith.index_cast %parallel_loop3A_457 : i32 to index
        %parallel_loop3A_459 = arith.index_cast %parallel_loop3A_374 : i32 to index
        %parallel_loop3A_460 = arith.constant 96 : index
        %parallel_loop3A_461 = tpu.vector_load %arg12[%parallel_loop3A_458, %parallel_loop3A_459, %parallel_loop3A_460] {strides = array<i32>} : memref<3x128x128xf32, #tpu.memory_space<vmem>>, vector<16xf32>,
        %parallel_loop3A_462 = arith.mulf %parallel_loop3A_456, %parallel_loop3A_461 : vector<16xf32>
        %parallel_loop3A_463 = arith.mulf %parallel_loop3A_462, %get3A_107 : vector<16xf32>
        %parallel_loop3A_464 = arith.addf %parallel_loop3A_451, %parallel_loop3A_463 : vector<16xf32>
        %parallel_loop3A_465 = arith.constant 2 : i32
        %parallel_loop3A_466 = arith.index_cast %parallel_loop3A_465 : i32 to index
        %parallel_loop3A_467 = arith.index_cast %parallel_loop3A_374 : i32 to index
        %parallel_loop3A_468 = arith.constant 112 : index
        %parallel_loop3A_469 = tpu.vector_load %arg11[%parallel_loop3A_466, %parallel_loop3A_467, %parallel_loop3A_468] {strides = array<i32>} : memref<3x128x128xf32, #tpu.memory_space<vmem>>, vector<16xf32>,
        %parallel_loop3A_470 = arith.constant 2 : i32
        %parallel_loop3A_471 = arith.index_cast %parallel_loop3A_470 : i32 to index
        %parallel_loop3A_472 = arith.index_cast %parallel_loop3A_374 : i32 to index
        %parallel_loop3A_473 = arith.constant 112 : index
        %parallel_loop3A_474 = tpu.vector_load %arg12[%parallel_loop3A_471, %parallel_loop3A_472, %parallel_loop3A_473] {strides = array<i32>} : memref<3x128x128xf32, #tpu.memory_space<vmem>>, vector<16xf32>,
        %parallel_loop3A_475 = arith.mulf %parallel_loop3A_469, %parallel_loop3A_474 : vector<16xf32>
        %parallel_loop3A_476 = arith.mulf %parallel_loop3A_475, %get3A_111 : vector<16xf32>
        %parallel_loop3A_477 = arith.addf %parallel_loop3A_464, %parallel_loop3A_476 : vector<16xf32>
        %parallel_loop3A_478 = arith.constant 0 : i32
        %parallel_loop3A_479 = vector.broadcast %parallel_loop3A_478 : i32 to vector<16xi32>
        %parallel_loop3A_480 = arith.cmpi slt, %xor3A_122, %parallel_loop3A_479 : vector<16xi32>
        %parallel_loop3A_481 = arith.constant 16 : i32
        %parallel_loop3A_482 = vector.broadcast %parallel_loop3A_481 : i32 to vector<16xi32>
        %parallel_loop3A_483 = arith.addi %xor3A_122, %parallel_loop3A_482 : vector<16xi32>
        %parallel_loop3A_484 = arith.select %parallel_loop3A_480, %parallel_loop3A_483, %xor3A_122 : vector<16xi1>, vector<16xi32>
        %parallel_loop3A_485 = vector.shape_cast %parallel_loop3A_484 : vector<16xi32> to vector<16x1xi32>
        %parallel_loop3A_486 = vector.shape_cast %parallel_loop3A_485 : vector<16x1xi32> to vector<16xi32>
        %parallel_loop3A_487 = tpu.dynamic_gather %parallel_loop3A_477[%parallel_loop3A_486] in [0] : vector<16xf32>, vector<16xi32> -> vector<16xf32>
        %parallel_loop3A_488 = arith.addf %parallel_loop3A_477, %parallel_loop3A_487 : vector<16xf32>
        %parallel_loop3A_489 = arith.constant 0 : i32
        %parallel_loop3A_490 = vector.broadcast %parallel_loop3A_489 : i32 to vector<16xi32>
        %parallel_loop3A_491 = arith.cmpi slt, %xor3A_119, %parallel_loop3A_490 : vector<16xi32>
        %parallel_loop3A_492 = arith.constant 16 : i32
        %parallel_loop3A_493 = vector.broadcast %parallel_loop3A_492 : i32 to vector<16xi32>
        %parallel_loop3A_494 = arith.addi %xor3A_119, %parallel_loop3A_493 : vector<16xi32>
        %parallel_loop3A_495 = arith.select %parallel_loop3A_491, %parallel_loop3A_494, %xor3A_119 : vector<16xi1>, vector<16xi32>
        %parallel_loop3A_496 = vector.shape_cast %parallel_loop3A_495 : vector<16xi32> to vector<16x1xi32>
        %parallel_loop3A_497 = vector.shape_cast %parallel_loop3A_496 : vector<16x1xi32> to vector<16xi32>
        %parallel_loop3A_498 = tpu.dynamic_gather %parallel_loop3A_488[%parallel_loop3A_497] in [0] : vector<16xf32>, vector<16xi32> -> vector<16xf32>
        %parallel_loop3A_499 = arith.addf %parallel_loop3A_488, %parallel_loop3A_498 : vector<16xf32>
        %parallel_loop3A_500 = arith.constant 0 : i32
        %parallel_loop3A_501 = vector.broadcast %parallel_loop3A_500 : i32 to vector<16xi32>
        %parallel_loop3A_502 = arith.cmpi slt, %xor3A_116, %parallel_loop3A_501 : vector<16xi32>
        %parallel_loop3A_503 = arith.constant 16 : i32
        %parallel_loop3A_504 = vector.broadcast %parallel_loop3A_503 : i32 to vector<16xi32>
        %parallel_loop3A_505 = arith.addi %xor3A_116, %parallel_loop3A_504 : vector<16xi32>
        %parallel_loop3A_506 = arith.select %parallel_loop3A_502, %parallel_loop3A_505, %xor3A_116 : vector<16xi1>, vector<16xi32>
        %parallel_loop3A_507 = vector.shape_cast %parallel_loop3A_506 : vector<16xi32> to vector<16x1xi32>
        %parallel_loop3A_508 = vector.shape_cast %parallel_loop3A_507 : vector<16x1xi32> to vector<16xi32>
        %parallel_loop3A_509 = tpu.dynamic_gather %parallel_loop3A_499[%parallel_loop3A_508] in [0] : vector<16xf32>, vector<16xi32> -> vector<16xf32>
        %parallel_loop3A_510 = arith.addf %parallel_loop3A_499, %parallel_loop3A_509 : vector<16xf32>
        %parallel_loop3A_511 = arith.constant 0 : i32
        %parallel_loop3A_512 = vector.broadcast %parallel_loop3A_511 : i32 to vector<16xi32>
        %parallel_loop3A_513 = arith.cmpi slt, %xor3A_113, %parallel_loop3A_512 : vector<16xi32>
        %parallel_loop3A_514 = arith.constant 16 : i32
        %parallel_loop3A_515 = vector.broadcast %parallel_loop3A_514 : i32 to vector<16xi32>
        %parallel_loop3A_516 = arith.addi %xor3A_113, %parallel_loop3A_515 : vector<16xi32>
        %parallel_loop3A_517 = arith.select %parallel_loop3A_513, %parallel_loop3A_516, %xor3A_113 : vector<16xi1>, vector<16xi32>
        %parallel_loop3A_518 = vector.shape_cast %parallel_loop3A_517 : vector<16xi32> to vector<16x1xi32>
        %parallel_loop3A_519 = vector.shape_cast %parallel_loop3A_518 : vector<16x1xi32> to vector<16xi32>
        %parallel_loop3A_520 = tpu.dynamic_gather %parallel_loop3A_510[%parallel_loop3A_519] in [0] : vector<16xf32>, vector<16xi32> -> vector<16xf32>
        %parallel_loop3A_521 = arith.addf %parallel_loop3A_510, %parallel_loop3A_520 : vector<16xf32>
        %parallel_loop3A_522 = vector.broadcast %parallel_loop3A_370 : i32 to vector<16xi32>
        %parallel_loop3A_523 = arith.cmpi eq, %iota3A, %parallel_loop3A_522 : vector<16xi32>
        %parallel_loop3A_524 = arith.select %parallel_loop3A_523, %parallel_loop3A_521, %parallel_loop3A_371 : vector<16xi1>, vector<16xf32>
        scf.yield %parallel_loop3A_524 : vector<16xf32>
      } {sc.loop_unroll_factor = 2 : i64, sc.parallel_access}
      %parallel_loop3A_363 = arith.constant 16 : i32
      %parallel_loop3A_364 = arith.muli %parallel_loop3A_358, %parallel_loop3A_363 : i32
      %parallel_loop3A_365 = arith.constant 256 : i32
      %parallel_loop3A_366 = arith.addi %parallel_loop3A_365, %parallel_loop3A_364 : i32
      %parallel_loop3A_367 = tpu.assume_multiple %parallel_loop3A_366, 16 : i32
      %parallel_loop3A_368 = arith.index_cast %parallel_loop3A_367 : i32 to index
      %parallel_loop3A_369 = tpu.vector_load %arg15[%parallel_loop3A_368] {strides = array<i32>} : memref<512xf32, #tpu.memory_space<vmem>>, vector<16xf32>,
      tpu.vector_store %arg15[%parallel_loop3A_368], %parallel_loop3A_362 {strides = array<i32>} : memref<512xf32, #tpu.memory_space<vmem>>, vector<16xf32>,
    } {sc.loop_unroll_factor = 1 : i64, sc.parallel_access}
    %dma_start3A_271 = arith.constant 256 : i32
    %dma_start3A_272 = tpu.memref_slice %arg15[%dma_start3A_271] : memref<512xf32, #tpu.memory_space<vmem>> -> memref<128xf32, #tpu.memory_space<vmem>>
    %dma_start3A_273 = arith.constant 256 : i32
    %dma_start3A_274 = tpu.memref_slice %arg8[%add3A, %dma_start3A_273] : memref<32x512xf32, #tpu.memory_space<hbm>> -> memref<1x128xf32, #tpu.memory_space<hbm>>
    %dma_start3A_275 = tpu.memref_squeeze %dma_start3A_274 : memref<1x128xf32, #tpu.memory_space<hbm>> -> memref<128xf32, #tpu.memory_space<hbm>>
    %dma_start3A_276 = arith.constant 256 : i32
    %dma_start3A_277 = tpu.memref_slice %arg8[%add3A, %dma_start3A_276] : memref<32x512xf32, #tpu.memory_space<hbm>> -> memref<1x128xf32, #tpu.memory_space<hbm>>
    %dma_start3A_278 = tpu.memref_squeeze %dma_start3A_277 : memref<1x128xf32, #tpu.memory_space<hbm>> -> memref<128xf32, #tpu.memory_space<hbm>>
    %dma_start3A_279 = arith.constant 256 : i32
    %dma_start3A_280 = tpu.memref_slice %arg15[%dma_start3A_279] : memref<512xf32, #tpu.memory_space<vmem>> -> memref<128xf32, #tpu.memory_space<vmem>>
    tpu.enqueue_dma source(%dma_start3A_280 : memref<128xf32, #tpu.memory_space<vmem>>) target(%dma_start3A_278 : memref<128xf32, #tpu.memory_space<hbm>>) target_semaphore(%arg24 : memref<!tpu.dma_semaphore, #tpu.memory_space<semaphore_mem>>)
    %dma_wait3A_281 = arith.constant 3 : i32
    %dma_wait3A_282 = arith.constant 0 : i32
    %dma_wait3A_283 = arith.constant 0 : i32
    %dma_wait3A_284 = arith.constant 0 : i32
    %dma_wait3A_285 = tpu.memref_slice %arg11[%dma_wait3A_282, %dma_wait3A_283, %dma_wait3A_284] : memref<3x128x128xf32, #tpu.memory_space<vmem>> -> memref<1x128x128xf32, #tpu.memory_space<vmem>>
    %dma_wait3A_286 = tpu.memref_squeeze %dma_wait3A_285 : memref<1x128x128xf32, #tpu.memory_space<vmem>> -> memref<128x128xf32, #tpu.memory_space<vmem>>
    %dma_wait3A_287 = arith.constant 0 : i32
    %dma_wait3A_288 = tpu.memref_slice %arg9[%dma_wait3A_281, %dma_wait3A_287] : memref<4x128xi32, #tpu.memory_space<vmem>> -> memref<1x128xi32, #tpu.memory_space<vmem>>
    %dma_wait3A_289 = tpu.memref_squeeze %dma_wait3A_288 : memref<1x128xi32, #tpu.memory_space<vmem>> -> memref<128xi32, #tpu.memory_space<vmem>>
    %dma_wait3A_290 = arith.constant 0 : i32
    %dma_wait3A_291 = arith.constant 0 : i32
    %dma_wait3A_292 = tpu.memref_slice %arg4[%dma_wait3A_290, %dma_wait3A_291] : memref<100000x128xf32, #tpu.memory_space<hbm>> -> memref<100000x128xf32, #tpu.memory_space<hbm>>
    tpu.wait_indirect_dma semaphore(%arg16 : memref<!tpu.dma_semaphore, #tpu.memory_space<semaphore_mem>>) src(%dma_wait3A_292 : memref<100000x128xf32, #tpu.memory_space<hbm>>) dst(%dma_wait3A_286 : memref<128x128xf32, #tpu.memory_space<vmem>>)
    %dma_wait3A_293 = arith.constant 3 : i32
    %dma_wait3A_294 = arith.constant 0 : i32
    %dma_wait3A_295 = arith.constant 0 : i32
    %dma_wait3A_296 = arith.constant 0 : i32
    %dma_wait3A_297 = tpu.memref_slice %arg12[%dma_wait3A_294, %dma_wait3A_295, %dma_wait3A_296] : memref<3x128x128xf32, #tpu.memory_space<vmem>> -> memref<1x128x128xf32, #tpu.memory_space<vmem>>
    %dma_wait3A_298 = tpu.memref_squeeze %dma_wait3A_297 : memref<1x128x128xf32, #tpu.memory_space<vmem>> -> memref<128x128xf32, #tpu.memory_space<vmem>>
    %dma_wait3A_299 = arith.constant 0 : i32
    %dma_wait3A_300 = tpu.memref_slice %arg10[%dma_wait3A_293, %dma_wait3A_299] : memref<4x128xi32, #tpu.memory_space<vmem>> -> memref<1x128xi32, #tpu.memory_space<vmem>>
    %dma_wait3A_301 = tpu.memref_squeeze %dma_wait3A_300 : memref<1x128xi32, #tpu.memory_space<vmem>> -> memref<128xi32, #tpu.memory_space<vmem>>
    %dma_wait3A_302 = arith.constant 0 : i32
    %dma_wait3A_303 = arith.constant 0 : i32
    %dma_wait3A_304 = tpu.memref_slice %arg5[%dma_wait3A_302, %dma_wait3A_303] : memref<100000x128xf32, #tpu.memory_space<hbm>> -> memref<100000x128xf32, #tpu.memory_space<hbm>>
    tpu.wait_indirect_dma semaphore(%arg19 : memref<!tpu.dma_semaphore, #tpu.memory_space<semaphore_mem>>) src(%dma_wait3A_304 : memref<100000x128xf32, #tpu.memory_space<hbm>>) dst(%dma_wait3A_298 : memref<128x128xf32, #tpu.memory_space<vmem>>)
    %parallel_loop3A_305 = arith.constant 0 : i32
    %parallel_loop3A_306 = arith.constant 8 : i32
    %parallel_loop3A_307 = arith.constant 1 : i32
    scf.for %parallel_loop3A_358 = %parallel_loop3A_305 to %parallel_loop3A_306 step %parallel_loop3A_307  : i32 {
      %parallel_loop3A_359 = arith.constant 0 : i32
      %parallel_loop3A_360 = arith.constant 16 : i32
      %parallel_loop3A_361 = arith.constant 1 : i32
      %parallel_loop3A_362 = scf.for %parallel_loop3A_370 = %parallel_loop3A_359 to %parallel_loop3A_360 step %parallel_loop3A_361 iter_args(%parallel_loop3A_371 = %get3A_79) -> (vector<16xf32>)  : i32 {
        %parallel_loop3A_372 = arith.constant 16 : i32
        %parallel_loop3A_373 = arith.muli %parallel_loop3A_358, %parallel_loop3A_372 : i32
        %parallel_loop3A_374 = arith.addi %parallel_loop3A_373, %parallel_loop3A_370 : i32
        %parallel_loop3A_375 = arith.constant 0 : i32
        %parallel_loop3A_376 = arith.index_cast %parallel_loop3A_375 : i32 to index
        %parallel_loop3A_377 = arith.index_cast %parallel_loop3A_374 : i32 to index
        %parallel_loop3A_378 = arith.constant 0 : index
        %parallel_loop3A_379 = tpu.vector_load %arg11[%parallel_loop3A_376, %parallel_loop3A_377, %parallel_loop3A_378] {strides = array<i32>} : memref<3x128x128xf32, #tpu.memory_space<vmem>>, vector<16xf32>,
        %parallel_loop3A_380 = arith.constant 0 : i32
        %parallel_loop3A_381 = arith.index_cast %parallel_loop3A_380 : i32 to index
        %parallel_loop3A_382 = arith.index_cast %parallel_loop3A_374 : i32 to index
        %parallel_loop3A_383 = arith.constant 0 : index
        %parallel_loop3A_384 = tpu.vector_load %arg12[%parallel_loop3A_381, %parallel_loop3A_382, %parallel_loop3A_383] {strides = array<i32>} : memref<3x128x128xf32, #tpu.memory_space<vmem>>, vector<16xf32>,
        %parallel_loop3A_385 = arith.mulf %parallel_loop3A_379, %parallel_loop3A_384 : vector<16xf32>
        %parallel_loop3A_386 = arith.mulf %parallel_loop3A_385, %get3A_83 : vector<16xf32>
        %parallel_loop3A_387 = arith.constant 0 : i32
        %parallel_loop3A_388 = arith.index_cast %parallel_loop3A_387 : i32 to index
        %parallel_loop3A_389 = arith.index_cast %parallel_loop3A_374 : i32 to index
        %parallel_loop3A_390 = arith.constant 16 : index
        %parallel_loop3A_391 = tpu.vector_load %arg11[%parallel_loop3A_388, %parallel_loop3A_389, %parallel_loop3A_390] {strides = array<i32>} : memref<3x128x128xf32, #tpu.memory_space<vmem>>, vector<16xf32>,
        %parallel_loop3A_392 = arith.constant 0 : i32
        %parallel_loop3A_393 = arith.index_cast %parallel_loop3A_392 : i32 to index
        %parallel_loop3A_394 = arith.index_cast %parallel_loop3A_374 : i32 to index
        %parallel_loop3A_395 = arith.constant 16 : index
        %parallel_loop3A_396 = tpu.vector_load %arg12[%parallel_loop3A_393, %parallel_loop3A_394, %parallel_loop3A_395] {strides = array<i32>} : memref<3x128x128xf32, #tpu.memory_space<vmem>>, vector<16xf32>,
        %parallel_loop3A_397 = arith.mulf %parallel_loop3A_391, %parallel_loop3A_396 : vector<16xf32>
        %parallel_loop3A_398 = arith.mulf %parallel_loop3A_397, %get3A_87 : vector<16xf32>
        %parallel_loop3A_399 = arith.addf %parallel_loop3A_386, %parallel_loop3A_398 : vector<16xf32>
        %parallel_loop3A_400 = arith.constant 0 : i32
        %parallel_loop3A_401 = arith.index_cast %parallel_loop3A_400 : i32 to index
        %parallel_loop3A_402 = arith.index_cast %parallel_loop3A_374 : i32 to index
        %parallel_loop3A_403 = arith.constant 32 : index
        %parallel_loop3A_404 = tpu.vector_load %arg11[%parallel_loop3A_401, %parallel_loop3A_402, %parallel_loop3A_403] {strides = array<i32>} : memref<3x128x128xf32, #tpu.memory_space<vmem>>, vector<16xf32>,
        %parallel_loop3A_405 = arith.constant 0 : i32
        %parallel_loop3A_406 = arith.index_cast %parallel_loop3A_405 : i32 to index
        %parallel_loop3A_407 = arith.index_cast %parallel_loop3A_374 : i32 to index
        %parallel_loop3A_408 = arith.constant 32 : index
        %parallel_loop3A_409 = tpu.vector_load %arg12[%parallel_loop3A_406, %parallel_loop3A_407, %parallel_loop3A_408] {strides = array<i32>} : memref<3x128x128xf32, #tpu.memory_space<vmem>>, vector<16xf32>,
        %parallel_loop3A_410 = arith.mulf %parallel_loop3A_404, %parallel_loop3A_409 : vector<16xf32>
        %parallel_loop3A_411 = arith.mulf %parallel_loop3A_410, %get3A_91 : vector<16xf32>
        %parallel_loop3A_412 = arith.addf %parallel_loop3A_399, %parallel_loop3A_411 : vector<16xf32>
        %parallel_loop3A_413 = arith.constant 0 : i32
        %parallel_loop3A_414 = arith.index_cast %parallel_loop3A_413 : i32 to index
        %parallel_loop3A_415 = arith.index_cast %parallel_loop3A_374 : i32 to index
        %parallel_loop3A_416 = arith.constant 48 : index
        %parallel_loop3A_417 = tpu.vector_load %arg11[%parallel_loop3A_414, %parallel_loop3A_415, %parallel_loop3A_416] {strides = array<i32>} : memref<3x128x128xf32, #tpu.memory_space<vmem>>, vector<16xf32>,
        %parallel_loop3A_418 = arith.constant 0 : i32
        %parallel_loop3A_419 = arith.index_cast %parallel_loop3A_418 : i32 to index
        %parallel_loop3A_420 = arith.index_cast %parallel_loop3A_374 : i32 to index
        %parallel_loop3A_421 = arith.constant 48 : index
        %parallel_loop3A_422 = tpu.vector_load %arg12[%parallel_loop3A_419, %parallel_loop3A_420, %parallel_loop3A_421] {strides = array<i32>} : memref<3x128x128xf32, #tpu.memory_space<vmem>>, vector<16xf32>,
        %parallel_loop3A_423 = arith.mulf %parallel_loop3A_417, %parallel_loop3A_422 : vector<16xf32>
        %parallel_loop3A_424 = arith.mulf %parallel_loop3A_423, %get3A_95 : vector<16xf32>
        %parallel_loop3A_425 = arith.addf %parallel_loop3A_412, %parallel_loop3A_424 : vector<16xf32>
        %parallel_loop3A_426 = arith.constant 0 : i32
        %parallel_loop3A_427 = arith.index_cast %parallel_loop3A_426 : i32 to index
        %parallel_loop3A_428 = arith.index_cast %parallel_loop3A_374 : i32 to index
        %parallel_loop3A_429 = arith.constant 64 : index
        %parallel_loop3A_430 = tpu.vector_load %arg11[%parallel_loop3A_427, %parallel_loop3A_428, %parallel_loop3A_429] {strides = array<i32>} : memref<3x128x128xf32, #tpu.memory_space<vmem>>, vector<16xf32>,
        %parallel_loop3A_431 = arith.constant 0 : i32
        %parallel_loop3A_432 = arith.index_cast %parallel_loop3A_431 : i32 to index
        %parallel_loop3A_433 = arith.index_cast %parallel_loop3A_374 : i32 to index
        %parallel_loop3A_434 = arith.constant 64 : index
        %parallel_loop3A_435 = tpu.vector_load %arg12[%parallel_loop3A_432, %parallel_loop3A_433, %parallel_loop3A_434] {strides = array<i32>} : memref<3x128x128xf32, #tpu.memory_space<vmem>>, vector<16xf32>,
        %parallel_loop3A_436 = arith.mulf %parallel_loop3A_430, %parallel_loop3A_435 : vector<16xf32>
        %parallel_loop3A_437 = arith.mulf %parallel_loop3A_436, %get3A_99 : vector<16xf32>
        %parallel_loop3A_438 = arith.addf %parallel_loop3A_425, %parallel_loop3A_437 : vector<16xf32>
        %parallel_loop3A_439 = arith.constant 0 : i32
        %parallel_loop3A_440 = arith.index_cast %parallel_loop3A_439 : i32 to index
        %parallel_loop3A_441 = arith.index_cast %parallel_loop3A_374 : i32 to index
        %parallel_loop3A_442 = arith.constant 80 : index
        %parallel_loop3A_443 = tpu.vector_load %arg11[%parallel_loop3A_440, %parallel_loop3A_441, %parallel_loop3A_442] {strides = array<i32>} : memref<3x128x128xf32, #tpu.memory_space<vmem>>, vector<16xf32>,
        %parallel_loop3A_444 = arith.constant 0 : i32
        %parallel_loop3A_445 = arith.index_cast %parallel_loop3A_444 : i32 to index
        %parallel_loop3A_446 = arith.index_cast %parallel_loop3A_374 : i32 to index
        %parallel_loop3A_447 = arith.constant 80 : index
        %parallel_loop3A_448 = tpu.vector_load %arg12[%parallel_loop3A_445, %parallel_loop3A_446, %parallel_loop3A_447] {strides = array<i32>} : memref<3x128x128xf32, #tpu.memory_space<vmem>>, vector<16xf32>,
        %parallel_loop3A_449 = arith.mulf %parallel_loop3A_443, %parallel_loop3A_448 : vector<16xf32>
        %parallel_loop3A_450 = arith.mulf %parallel_loop3A_449, %get3A_103 : vector<16xf32>
        %parallel_loop3A_451 = arith.addf %parallel_loop3A_438, %parallel_loop3A_450 : vector<16xf32>
        %parallel_loop3A_452 = arith.constant 0 : i32
        %parallel_loop3A_453 = arith.index_cast %parallel_loop3A_452 : i32 to index
        %parallel_loop3A_454 = arith.index_cast %parallel_loop3A_374 : i32 to index
        %parallel_loop3A_455 = arith.constant 96 : index
        %parallel_loop3A_456 = tpu.vector_load %arg11[%parallel_loop3A_453, %parallel_loop3A_454, %parallel_loop3A_455] {strides = array<i32>} : memref<3x128x128xf32, #tpu.memory_space<vmem>>, vector<16xf32>,
        %parallel_loop3A_457 = arith.constant 0 : i32
        %parallel_loop3A_458 = arith.index_cast %parallel_loop3A_457 : i32 to index
        %parallel_loop3A_459 = arith.index_cast %parallel_loop3A_374 : i32 to index
        %parallel_loop3A_460 = arith.constant 96 : index
        %parallel_loop3A_461 = tpu.vector_load %arg12[%parallel_loop3A_458, %parallel_loop3A_459, %parallel_loop3A_460] {strides = array<i32>} : memref<3x128x128xf32, #tpu.memory_space<vmem>>, vector<16xf32>,
        %parallel_loop3A_462 = arith.mulf %parallel_loop3A_456, %parallel_loop3A_461 : vector<16xf32>
        %parallel_loop3A_463 = arith.mulf %parallel_loop3A_462, %get3A_107 : vector<16xf32>
        %parallel_loop3A_464 = arith.addf %parallel_loop3A_451, %parallel_loop3A_463 : vector<16xf32>
        %parallel_loop3A_465 = arith.constant 0 : i32
        %parallel_loop3A_466 = arith.index_cast %parallel_loop3A_465 : i32 to index
        %parallel_loop3A_467 = arith.index_cast %parallel_loop3A_374 : i32 to index
        %parallel_loop3A_468 = arith.constant 112 : index
        %parallel_loop3A_469 = tpu.vector_load %arg11[%parallel_loop3A_466, %parallel_loop3A_467, %parallel_loop3A_468] {strides = array<i32>} : memref<3x128x128xf32, #tpu.memory_space<vmem>>, vector<16xf32>,
        %parallel_loop3A_470 = arith.constant 0 : i32
        %parallel_loop3A_471 = arith.index_cast %parallel_loop3A_470 : i32 to index
        %parallel_loop3A_472 = arith.index_cast %parallel_loop3A_374 : i32 to index
        %parallel_loop3A_473 = arith.constant 112 : index
        %parallel_loop3A_474 = tpu.vector_load %arg12[%parallel_loop3A_471, %parallel_loop3A_472, %parallel_loop3A_473] {strides = array<i32>} : memref<3x128x128xf32, #tpu.memory_space<vmem>>, vector<16xf32>,
        %parallel_loop3A_475 = arith.mulf %parallel_loop3A_469, %parallel_loop3A_474 : vector<16xf32>
        %parallel_loop3A_476 = arith.mulf %parallel_loop3A_475, %get3A_111 : vector<16xf32>
        %parallel_loop3A_477 = arith.addf %parallel_loop3A_464, %parallel_loop3A_476 : vector<16xf32>
        %parallel_loop3A_478 = arith.constant 0 : i32
        %parallel_loop3A_479 = vector.broadcast %parallel_loop3A_478 : i32 to vector<16xi32>
        %parallel_loop3A_480 = arith.cmpi slt, %xor3A_122, %parallel_loop3A_479 : vector<16xi32>
        %parallel_loop3A_481 = arith.constant 16 : i32
        %parallel_loop3A_482 = vector.broadcast %parallel_loop3A_481 : i32 to vector<16xi32>
        %parallel_loop3A_483 = arith.addi %xor3A_122, %parallel_loop3A_482 : vector<16xi32>
        %parallel_loop3A_484 = arith.select %parallel_loop3A_480, %parallel_loop3A_483, %xor3A_122 : vector<16xi1>, vector<16xi32>
        %parallel_loop3A_485 = vector.shape_cast %parallel_loop3A_484 : vector<16xi32> to vector<16x1xi32>
        %parallel_loop3A_486 = vector.shape_cast %parallel_loop3A_485 : vector<16x1xi32> to vector<16xi32>
        %parallel_loop3A_487 = tpu.dynamic_gather %parallel_loop3A_477[%parallel_loop3A_486] in [0] : vector<16xf32>, vector<16xi32> -> vector<16xf32>
        %parallel_loop3A_488 = arith.addf %parallel_loop3A_477, %parallel_loop3A_487 : vector<16xf32>
        %parallel_loop3A_489 = arith.constant 0 : i32
        %parallel_loop3A_490 = vector.broadcast %parallel_loop3A_489 : i32 to vector<16xi32>
        %parallel_loop3A_491 = arith.cmpi slt, %xor3A_119, %parallel_loop3A_490 : vector<16xi32>
        %parallel_loop3A_492 = arith.constant 16 : i32
        %parallel_loop3A_493 = vector.broadcast %parallel_loop3A_492 : i32 to vector<16xi32>
        %parallel_loop3A_494 = arith.addi %xor3A_119, %parallel_loop3A_493 : vector<16xi32>
        %parallel_loop3A_495 = arith.select %parallel_loop3A_491, %parallel_loop3A_494, %xor3A_119 : vector<16xi1>, vector<16xi32>
        %parallel_loop3A_496 = vector.shape_cast %parallel_loop3A_495 : vector<16xi32> to vector<16x1xi32>
        %parallel_loop3A_497 = vector.shape_cast %parallel_loop3A_496 : vector<16x1xi32> to vector<16xi32>
        %parallel_loop3A_498 = tpu.dynamic_gather %parallel_loop3A_488[%parallel_loop3A_497] in [0] : vector<16xf32>, vector<16xi32> -> vector<16xf32>
        %parallel_loop3A_499 = arith.addf %parallel_loop3A_488, %parallel_loop3A_498 : vector<16xf32>
        %parallel_loop3A_500 = arith.constant 0 : i32
        %parallel_loop3A_501 = vector.broadcast %parallel_loop3A_500 : i32 to vector<16xi32>
        %parallel_loop3A_502 = arith.cmpi slt, %xor3A_116, %parallel_loop3A_501 : vector<16xi32>
        %parallel_loop3A_503 = arith.constant 16 : i32
        %parallel_loop3A_504 = vector.broadcast %parallel_loop3A_503 : i32 to vector<16xi32>
        %parallel_loop3A_505 = arith.addi %xor3A_116, %parallel_loop3A_504 : vector<16xi32>
        %parallel_loop3A_506 = arith.select %parallel_loop3A_502, %parallel_loop3A_505, %xor3A_116 : vector<16xi1>, vector<16xi32>
        %parallel_loop3A_507 = vector.shape_cast %parallel_loop3A_506 : vector<16xi32> to vector<16x1xi32>
        %parallel_loop3A_508 = vector.shape_cast %parallel_loop3A_507 : vector<16x1xi32> to vector<16xi32>
        %parallel_loop3A_509 = tpu.dynamic_gather %parallel_loop3A_499[%parallel_loop3A_508] in [0] : vector<16xf32>, vector<16xi32> -> vector<16xf32>
        %parallel_loop3A_510 = arith.addf %parallel_loop3A_499, %parallel_loop3A_509 : vector<16xf32>
        %parallel_loop3A_511 = arith.constant 0 : i32
        %parallel_loop3A_512 = vector.broadcast %parallel_loop3A_511 : i32 to vector<16xi32>
        %parallel_loop3A_513 = arith.cmpi slt, %xor3A_113, %parallel_loop3A_512 : vector<16xi32>
        %parallel_loop3A_514 = arith.constant 16 : i32
        %parallel_loop3A_515 = vector.broadcast %parallel_loop3A_514 : i32 to vector<16xi32>
        %parallel_loop3A_516 = arith.addi %xor3A_113, %parallel_loop3A_515 : vector<16xi32>
        %parallel_loop3A_517 = arith.select %parallel_loop3A_513, %parallel_loop3A_516, %xor3A_113 : vector<16xi1>, vector<16xi32>
        %parallel_loop3A_518 = vector.shape_cast %parallel_loop3A_517 : vector<16xi32> to vector<16x1xi32>
        %parallel_loop3A_519 = vector.shape_cast %parallel_loop3A_518 : vector<16x1xi32> to vector<16xi32>
        %parallel_loop3A_520 = tpu.dynamic_gather %parallel_loop3A_510[%parallel_loop3A_519] in [0] : vector<16xf32>, vector<16xi32> -> vector<16xf32>
        %parallel_loop3A_521 = arith.addf %parallel_loop3A_510, %parallel_loop3A_520 : vector<16xf32>
        %parallel_loop3A_522 = vector.broadcast %parallel_loop3A_370 : i32 to vector<16xi32>
        %parallel_loop3A_523 = arith.cmpi eq, %iota3A, %parallel_loop3A_522 : vector<16xi32>
        %parallel_loop3A_524 = arith.select %parallel_loop3A_523, %parallel_loop3A_521, %parallel_loop3A_371 : vector<16xi1>, vector<16xf32>
        scf.yield %parallel_loop3A_524 : vector<16xf32>
      } {sc.loop_unroll_factor = 2 : i64, sc.parallel_access}
      %parallel_loop3A_363 = arith.constant 16 : i32
      %parallel_loop3A_364 = arith.muli %parallel_loop3A_358, %parallel_loop3A_363 : i32
      %parallel_loop3A_365 = arith.constant 384 : i32
      %parallel_loop3A_366 = arith.addi %parallel_loop3A_365, %parallel_loop3A_364 : i32
      %parallel_loop3A_367 = tpu.assume_multiple %parallel_loop3A_366, 16 : i32
      %parallel_loop3A_368 = arith.index_cast %parallel_loop3A_367 : i32 to index
      %parallel_loop3A_369 = tpu.vector_load %arg15[%parallel_loop3A_368] {strides = array<i32>} : memref<512xf32, #tpu.memory_space<vmem>>, vector<16xf32>,
      tpu.vector_store %arg15[%parallel_loop3A_368], %parallel_loop3A_362 {strides = array<i32>} : memref<512xf32, #tpu.memory_space<vmem>>, vector<16xf32>,
    } {sc.loop_unroll_factor = 1 : i64, sc.parallel_access}
    %dma_start3A_308 = arith.constant 384 : i32
    %dma_start3A_309 = tpu.memref_slice %arg15[%dma_start3A_308] : memref<512xf32, #tpu.memory_space<vmem>> -> memref<128xf32, #tpu.memory_space<vmem>>
    %dma_start3A_310 = arith.constant 384 : i32
    %dma_start3A_311 = tpu.memref_slice %arg8[%add3A, %dma_start3A_310] : memref<32x512xf32, #tpu.memory_space<hbm>> -> memref<1x128xf32, #tpu.memory_space<hbm>>
    %dma_start3A_312 = tpu.memref_squeeze %dma_start3A_311 : memref<1x128xf32, #tpu.memory_space<hbm>> -> memref<128xf32, #tpu.memory_space<hbm>>
    %dma_start3A_313 = arith.constant 384 : i32
    %dma_start3A_314 = tpu.memref_slice %arg8[%add3A, %dma_start3A_313] : memref<32x512xf32, #tpu.memory_space<hbm>> -> memref<1x128xf32, #tpu.memory_space<hbm>>
    %dma_start3A_315 = tpu.memref_squeeze %dma_start3A_314 : memref<1x128xf32, #tpu.memory_space<hbm>> -> memref<128xf32, #tpu.memory_space<hbm>>
    %dma_start3A_316 = arith.constant 384 : i32
    %dma_start3A_317 = tpu.memref_slice %arg15[%dma_start3A_316] : memref<512xf32, #tpu.memory_space<vmem>> -> memref<128xf32, #tpu.memory_space<vmem>>
    tpu.enqueue_dma source(%dma_start3A_317 : memref<128xf32, #tpu.memory_space<vmem>>) target(%dma_start3A_315 : memref<128xf32, #tpu.memory_space<hbm>>) target_semaphore(%arg25 : memref<!tpu.dma_semaphore, #tpu.memory_space<semaphore_mem>>)
    %dma_wait3A_318 = arith.constant 0 : i32
    %dma_wait3A_319 = tpu.memref_slice %arg15[%dma_wait3A_318] : memref<512xf32, #tpu.memory_space<vmem>> -> memref<128xf32, #tpu.memory_space<vmem>>
    %dma_wait3A_320 = arith.constant 0 : i32
    %dma_wait3A_321 = tpu.memref_slice %arg8[%add3A, %dma_wait3A_320] : memref<32x512xf32, #tpu.memory_space<hbm>> -> memref<1x128xf32, #tpu.memory_space<hbm>>
    %dma_wait3A_322 = tpu.memref_squeeze %dma_wait3A_321 : memref<1x128xf32, #tpu.memory_space<hbm>> -> memref<128xf32, #tpu.memory_space<hbm>>
    %dma_wait3A_323 = arith.constant 0 : i32
    %dma_wait3A_324 = tpu.memref_slice %arg8[%add3A, %dma_wait3A_323] : memref<32x512xf32, #tpu.memory_space<hbm>> -> memref<1x128xf32, #tpu.memory_space<hbm>>
    %dma_wait3A_325 = tpu.memref_squeeze %dma_wait3A_324 : memref<1x128xf32, #tpu.memory_space<hbm>> -> memref<128xf32, #tpu.memory_space<hbm>>
    %dma_wait3A_326 = arith.constant 0 : i32
    %dma_wait3A_327 = tpu.memref_slice %arg15[%dma_wait3A_326] : memref<512xf32, #tpu.memory_space<vmem>> -> memref<128xf32, #tpu.memory_space<vmem>>
    tpu.wait_dma2 semaphore(%arg22 : memref<!tpu.dma_semaphore, #tpu.memory_space<semaphore_mem>>) src(%dma_wait3A_327 : memref<128xf32, #tpu.memory_space<vmem>>) dst(%dma_wait3A_325 : memref<128xf32, #tpu.memory_space<hbm>>)
    %dma_wait3A_328 = arith.constant 128 : i32
    %dma_wait3A_329 = tpu.memref_slice %arg15[%dma_wait3A_328] : memref<512xf32, #tpu.memory_space<vmem>> -> memref<128xf32, #tpu.memory_space<vmem>>
    %dma_wait3A_330 = arith.constant 128 : i32
    %dma_wait3A_331 = tpu.memref_slice %arg8[%add3A, %dma_wait3A_330] : memref<32x512xf32, #tpu.memory_space<hbm>> -> memref<1x128xf32, #tpu.memory_space<hbm>>
    %dma_wait3A_332 = tpu.memref_squeeze %dma_wait3A_331 : memref<1x128xf32, #tpu.memory_space<hbm>> -> memref<128xf32, #tpu.memory_space<hbm>>
    %dma_wait3A_333 = arith.constant 128 : i32
    %dma_wait3A_334 = tpu.memref_slice %arg8[%add3A, %dma_wait3A_333] : memref<32x512xf32, #tpu.memory_space<hbm>> -> memref<1x128xf32, #tpu.memory_space<hbm>>
    %dma_wait3A_335 = tpu.memref_squeeze %dma_wait3A_334 : memref<1x128xf32, #tpu.memory_space<hbm>> -> memref<128xf32, #tpu.memory_space<hbm>>
    %dma_wait3A_336 = arith.constant 128 : i32
    %dma_wait3A_337 = tpu.memref_slice %arg15[%dma_wait3A_336] : memref<512xf32, #tpu.memory_space<vmem>> -> memref<128xf32, #tpu.memory_space<vmem>>
    tpu.wait_dma2 semaphore(%arg23 : memref<!tpu.dma_semaphore, #tpu.memory_space<semaphore_mem>>) src(%dma_wait3A_337 : memref<128xf32, #tpu.memory_space<vmem>>) dst(%dma_wait3A_335 : memref<128xf32, #tpu.memory_space<hbm>>)
    %dma_wait3A_338 = arith.constant 256 : i32
    %dma_wait3A_339 = tpu.memref_slice %arg15[%dma_wait3A_338] : memref<512xf32, #tpu.memory_space<vmem>> -> memref<128xf32, #tpu.memory_space<vmem>>
    %dma_wait3A_340 = arith.constant 256 : i32
    %dma_wait3A_341 = tpu.memref_slice %arg8[%add3A, %dma_wait3A_340] : memref<32x512xf32, #tpu.memory_space<hbm>> -> memref<1x128xf32, #tpu.memory_space<hbm>>
    %dma_wait3A_342 = tpu.memref_squeeze %dma_wait3A_341 : memref<1x128xf32, #tpu.memory_space<hbm>> -> memref<128xf32, #tpu.memory_space<hbm>>
    %dma_wait3A_343 = arith.constant 256 : i32
    %dma_wait3A_344 = tpu.memref_slice %arg8[%add3A, %dma_wait3A_343] : memref<32x512xf32, #tpu.memory_space<hbm>> -> memref<1x128xf32, #tpu.memory_space<hbm>>
    %dma_wait3A_345 = tpu.memref_squeeze %dma_wait3A_344 : memref<1x128xf32, #tpu.memory_space<hbm>> -> memref<128xf32, #tpu.memory_space<hbm>>
    %dma_wait3A_346 = arith.constant 256 : i32
    %dma_wait3A_347 = tpu.memref_slice %arg15[%dma_wait3A_346] : memref<512xf32, #tpu.memory_space<vmem>> -> memref<128xf32, #tpu.memory_space<vmem>>
    tpu.wait_dma2 semaphore(%arg24 : memref<!tpu.dma_semaphore, #tpu.memory_space<semaphore_mem>>) src(%dma_wait3A_347 : memref<128xf32, #tpu.memory_space<vmem>>) dst(%dma_wait3A_345 : memref<128xf32, #tpu.memory_space<hbm>>)
    %dma_wait3A_348 = arith.constant 384 : i32
    %dma_wait3A_349 = tpu.memref_slice %arg15[%dma_wait3A_348] : memref<512xf32, #tpu.memory_space<vmem>> -> memref<128xf32, #tpu.memory_space<vmem>>
    %dma_wait3A_350 = arith.constant 384 : i32
    %dma_wait3A_351 = tpu.memref_slice %arg8[%add3A, %dma_wait3A_350] : memref<32x512xf32, #tpu.memory_space<hbm>> -> memref<1x128xf32, #tpu.memory_space<hbm>>
    %dma_wait3A_352 = tpu.memref_squeeze %dma_wait3A_351 : memref<1x128xf32, #tpu.memory_space<hbm>> -> memref<128xf32, #tpu.memory_space<hbm>>
    %dma_wait3A_353 = arith.constant 384 : i32
    %dma_wait3A_354 = tpu.memref_slice %arg8[%add3A, %dma_wait3A_353] : memref<32x512xf32, #tpu.memory_space<hbm>> -> memref<1x128xf32, #tpu.memory_space<hbm>>
    %dma_wait3A_355 = tpu.memref_squeeze %dma_wait3A_354 : memref<1x128xf32, #tpu.memory_space<hbm>> -> memref<128xf32, #tpu.memory_space<hbm>>
    %dma_wait3A_356 = arith.constant 384 : i32
    %dma_wait3A_357 = tpu.memref_slice %arg15[%dma_wait3A_356] : memref<512xf32, #tpu.memory_space<vmem>> -> memref<128xf32, #tpu.memory_space<vmem>>
    tpu.wait_dma2 semaphore(%arg25 : memref<!tpu.dma_semaphore, #tpu.memory_space<semaphore_mem>>) src(%dma_wait3A_357 : memref<128xf32, #tpu.memory_space<vmem>>) dst(%dma_wait3A_355 : memref<128xf32, #tpu.memory_space<hbm>>)
    return
  }
}

</mosaic_0001>

<sc_bundles>
// kernel: kernel.3.cloned.1.call-start
scs
__scs_entry_jumppad:
0x0: {  	(pc) =	sbr.rel $0x88, $3  }
0x1: {  	(tag) =	ssettag $0x0;
	lr =	simm.s32 $0x1  }
0x2: {  	[smem:$0x3F9B] =	sst lr;
	_ =	strace $0xD0000000  }
0x3: {  	_ = 	snop  }
0x4: {  	_ = 	snop  }
0x5: {  	_ = 	snop  }
0x6: {  	_ = 	snop  }
0x7: {  	_ = 	snop  }
__scs_overlays_trampoline_lowered:
0x8: {  	[smem:$0x3FAA] =	sst s0  }
0x9: {  	[smem:$0x3FAB] =	sst s1  }
0xa: {  	[smem:$0x3FAC] =	sst s2  }
0xb: {  	[smem:$0x3FAD] =	sst s3  }
0xc: {  	[smem:$0x3FAE] =	sst s4  }
0xd: {  	[smem:$0x3FAF] =	sst s5  }
0xe: {  	[smem:$0x3FB0] =	sst s6  }
0xf: {  	[smem:$0x3FB1] =	sst s7  }
0x10: {  	[smem:$0x3FB2] =	sst s8  }
0x11: {  	[smem:$0x3FB3] =	sst s9;
	s0 =	simm.s32 @!p0 $0x0  }
0x12: {  	s1 =	sld [smem:$0x3F99];
	s0 =	simm.s32 @p0 $0x1  }
0x13: {  	[smem:$0x3FB4] =	sst s0;
	s0 =	simm.s32 @!p1 $0x0  }
0x14: {  	s2 =	sld [smem:$0x3F98];
	s0 =	simm.s32 @p1 $0x1  }
0x15: {  	[smem:$0x3FB5] =	sst s0;
	s0 =	simm.s32 @!p2 $0x0  }
0x16: {  	s3 =	sld [smem:$0x3FDB];
	s0 =	simm.s32 @p2 $0x1  }
0x17: {  	s4 =	simm.s32 $0x1BF5;
	[smem:$0x3FB7] =	sst s0  }
0x18: {  	s0 =	sld [smem:$0x3F9A];
	_ =	swait.ge [sflag:s4], $0x0  }
0x19: {  	s7 =	sld [smem:$0x3F9B]  }
0x1a: {  	s8 =	sadd.s32 $0xFFFFE003, lr  }
0x1b: {  	s9 =	sadd.s32 $0xFFFFFEF7, lr;
	s5 =	simm.s32 $0xFFFFFFFF;
	p2 =	slt.u32 s8, $0xFFFFF086  }
0x1c: {  	p1 =	slt.u32 s9, $0xF7A;
	s5 =	simm.s32 @!p2 $0x0  }
0x1d: {  	s5 =	simm.s32 @p1 $0x1;
	p0 =	seq.s32 s7, s2  }
0x1e: {  	s7 =	smul.u32 @!p0 $0xF7A, s2;
	p2 =	seq.s32 @!p0 s5, $0x0  }
0x1f: {  	s9 =	smul.u32 $0xF7A, s1;
	s8 =	simm.s32 @!p0 $0x1BF5;
	p2 =	por !p2, p0  }
0x20: {  	[sflag:s8] =	ssyncset.s32 @!p0 $0xFFFFF086;
	s6 =	sadd.s32 @!p0 s3, s7;
	s7 =	simm.s32 @!p0 $0x108  }
0x21: {  	s3 =	sadd.s32 s3, s9;
	s6 =	sadd.s32 @!p0 $0x88, s6;
	s7 =	simm.s32 @p2 $0x1082  }
0x22: {  	[simem:s7], [sflag:s8] =	dma.local @!p0 [hbm:s6], $0xF7A  }
0x23: {  	s9 =	sor.u32 $0xD0000000, s2;
	s6 =	simm.s32 $0x108;
	_ =	swait.ge @!p0 [sflag:s8], $0x0  }
0x24: {  	s3 =	sadd.s32 $0x88, s3;
	s6 =	simm.s32 @!p1 $0x1082;
	[sflag:s4] =	ssyncset.s32 $0xFFFFF086  }
0x25: {  	[simem:s6], [sflag:s4] =	dma.local [hbm:s3], $0xF7A  }
0x26: {  	[smem:$0x3F9B] =	sst s1;
	(tag) =	ssettag s2;
	_ =	strace s9  }
0x27: {  	s1 =	sld [smem:$0x3FAB]  }
0x28: {  	s2 =	sld [smem:$0x3FAC]  }
0x29: {  	s4 =	sld [smem:$0x3FAE]  }
0x2a: {  	p0 =	seq.s32 s5, $0x0;
	s5 =	sld [smem:$0x3FAF]  }
0x2b: {  	s6 =	sld [smem:$0x3FB0]  }
0x2c: {  	s7 =	sld [smem:$0x3FB1]  }
0x2d: {  	s3 =	simm.s32 $0x108;
	s8 =	sld [smem:$0x3FB2]  }
0x2e: {  	s3 =	simm.s32 @!p0 $0x1082;
	s9 =	sld [smem:$0x3FB3]  }
0x2f: {  	lr =	sadd.s32 s0, s3;
	s0 =	sld [smem:$0x3FAA]  }
0x30: {  	s3 =	sld [smem:$0x3FAD]  }
0x31: {  	[smem:$0x3FB6] =	sst s10  }
0x32: {  	s10 =	sld [smem:$0x3FB4];
	_ =	sdelay $0x3  }
0x33: {  	p0 =	seq.s32 s10, $0x1;
	s10 =	sld [smem:$0x3FB6];
	_ =	sdelay $0x3  }
0x34: {  	[smem:$0x3FB6] =	sst s10  }
0x35: {  	s10 =	sld [smem:$0x3FB5];
	_ =	sdelay $0x3  }
0x36: {  	p1 =	seq.s32 s10, $0x1;
	s10 =	sld [smem:$0x3FB6];
	_ =	sdelay $0x3  }
0x37: {  	[smem:$0x3FB6] =	sst s10  }
0x38: {  	s10 =	sld [smem:$0x3FB7]  }
0x39: {  	_ = 	snop;
	(pc) =	sbr.ind lr, $3  }
0x3a: {  	_ = 	snop  }
0x3b: {  	_ = 	snop  }
0x3c: {  	p2 =	seq.s32 s10, $0x1;
	s10 =	sld [smem:$0x3FB6]  }
0x3d: {  	_ =	shalt  }
0x3e: {  	_ =	shalt  }
0x3f: {  	_ =	shalt  }
0x40: {  	_ =	shalt  }
0x41: {  	_ =	shalt  }
0x42: {  	_ =	shalt  }
0x43: {  	_ =	shalt  }
0x44: {  	_ =	shalt  }
0x45: {  	_ =	shalt  }
0x46: {  	_ =	shalt  }
0x47: {  	_ =	shalt  }
0x48: {  	_ =	shalt  }
0x49: {  	_ =	shalt  }
0x4a: {  	_ =	shalt  }
0x4b: {  	_ =	shalt  }
0x4c: {  	_ =	shalt  }
0x4d: {  	_ =	shalt  }
0x4e: {  	_ =	shalt  }
0x4f: {  	_ =	shalt  }
0x50: {  	_ =	shalt  }
0x51: {  	_ =	shalt  }
0x52: {  	_ =	shalt  }
0x53: {  	_ =	shalt  }
0x54: {  	_ =	shalt  }
0x55: {  	_ =	shalt  }
0x56: {  	_ =	shalt  }
0x57: {  	_ =	shalt  }
0x58: {  	_ =	shalt  }
0x59: {  	_ =	shalt  }
0x5a: {  	_ =	shalt  }
0x5b: {  	_ =	shalt  }
0x5c: {  	_ =	shalt  }
0x5d: {  	_ =	shalt  }
0x5e: {  	_ =	shalt  }
0x5f: {  	_ =	shalt  }
0x60: {  	_ =	shalt  }
0x61: {  	_ =	shalt  }
0x62: {  	_ =	shalt  }
0x63: {  	_ =	shalt  }
0x64: {  	_ =	shalt  }
0x65: {  	_ =	shalt  }
0x66: {  	_ =	shalt  }
0x67: {  	_ =	shalt  }
0x68: {  	_ =	shalt  }
0x69: {  	_ =	shalt  }
0x6a: {  	_ =	shalt  }
0x6b: {  	_ =	shalt  }
0x6c: {  	_ =	shalt  }
0x6d: {  	_ =	shalt  }
0x6e: {  	_ =	shalt  }
0x6f: {  	_ =	shalt  }
0x70: {  	_ =	shalt  }
0x71: {  	_ =	shalt  }
0x72: {  	_ =	shalt  }
0x73: {  	_ =	shalt  }
0x74: {  	_ =	shalt  }
0x75: {  	_ =	shalt  }
0x76: {  	_ =	shalt  }
0x77: {  	_ =	shalt  }
0x78: {  	_ =	shalt  }
0x79: {  	_ =	shalt  }
0x7a: {  	_ =	shalt  }
0x7b: {  	_ =	shalt  }
0x7c: {  	_ =	shalt  }
0x7d: {  	_ =	shalt  }
0x7e: {  	_ =	shalt  }
0x7f: {  	_ =	shalt  }
0x80: {  	_ =	shalt  }
0x81: {  	_ =	shalt  }
0x82: {  	_ =	shalt  }
0x83: {  	_ =	shalt  }
0x84: {  	_ =	shalt  }
0x85: {  	_ =	shalt  }
0x86: {  	_ =	shalt  }
0x87: {  	_ =	shalt  }
.Lfunc_end0:
.L_simem_size_0:
called_computation_lowered:
.L_overlay_start_0:
0x88: {  	s2 =	sld [smem:$0x3FD9]  }
0x89: {  	s3 =	sld [smem:$0x3FFE];
	_ =	sdelay $0x1  }
0x8a: {  	s1 =	srdreg.scid  }
0x8b: {  	s0 =	sand.u32 $0x1, s1  }
0x8c: {  	s17 =	sshll.u32 s0, $0xA;
	s2 =	sadd.s32 s3, s2  }
0x8d: {  	s2 =	sadd.s32 s2, s17  }
0x8e: {  	[smem:$0x3FC2] =	sst s2  }
0x8f: {  	_ = 	snop  }
0x90: {  	s2 =	sld [smem:$0x3FC9]  }
0x91: {  	s18 =	sld [smem:$0x3FC8]  }
0x92: {  	s4 =	sld [smem:$0x3FC7]  }
0x93: {  	s5 =	sld [smem:$0x3FC6]  }
0x94: {  	s6 =	sld [smem:$0x3FD0];
	(tm) =	ssettm $0x1  }
0x95: {  	s7 =	sld [smem:$0x3FFB];
	_ =	sdelay $0x3  }
0x96: {  	_ =	strace s7  }
0x97: {  	s7 =	sld [smem:$0x3FFC];
	_ =	sdelay $0x3  }
0x98: {  	_ =	strace s7  }
0x99: {  	s7 =	sld [smem:$0x3FFD];
	_ =	sdelay $0x3  }
0x9a: {  	_ =	strace s7  }
0x9b: {  	_ =	strace $0x8FFFFFFF  }
0x9c: {  	s19 =	sld [smem:$0x3FDB];
	_ =	sdelay $0x1  }
0x9d: {  	s8 =	simm.s32 $_scs_section_size  }
0x9e: {  	s9 =	simm.s32 $_size__tile_overlayer_lowered;
	s10 =	simm.s32 $_tile_overlayer_lowered  }
0x9f: {  	s22 =	simm.s32 $0x1BFF;
	s21 =	sshll.u32 s10, $0x1;
	s7 =	sadd.s32 s8, s19  }
0xa0: {  	s11 =	simm.s32 $0x0;
	s20 =	sshll.u32 s9, $0x1;
	s9 =	sadd.s32 s21, s7  }
0xa1: {  	[timem:s11], [sflag:s22] =	dma.local [hbm:s9], s20  }
0xa2: {  	_ =	swait.ge [sflag:s22], s20  }
0xa3: {  	s8 =	ssub.s32 $0x0, s20;
	[sflag:s22] =	ssyncset.done $0x0  }
0xa4: {  	[sflag:s22] =	ssyncadd.s32 s8;
	_ =	sdelay $0x1  }
0xa5: {  	s23 =	simm.s32 $0x1B8B  }
0xa6: {  	_ =	swait.ge [sflag:s23], $0x1  }
0xa7: {  	[sflag:s23] =	ssyncset.done $0x0  }
0xa8: {  	s25 =	simm.s32 $0x1B8E;
	s24 =	sld [smem:$0x3FFE];
	[sflag:s23] =	ssyncadd.s32 $0xFFFFFFFF  }
0xa9: {  	s26 =	simm.s32 $execute0_lowered;
	[smem:$0x3FD2] =	sst s25  }
0xaa: {  	s9 =	sshll.u32 s26, $0x1;
	_ =	strace $0x80000046;
	[dreg:$0x1] =	wrdreg $0xFFFFFFFF  }
0xab: {  	s28 =	simm.s32 $_size_execute0_lowered;
	s7 =	sadd.s32 s7, s9;
	[dreg:$0x0] =	wrdreg $0x0  }
0xac: {  	s9 =	sshll.u32 s28, $0x1;
	[dreg:$0x2] =	wrdreg s7  }
0xad: {  	[dreg:$0x3] =	wrdreg s9  }
0xae: {  	[dreg:$0x4] =	wrdreg $0xC0  }
0xaf: {  	_ =	task [dreg:s11], $0x5FFFF  }
0xb0: {  	[dreg:$0x1] =	wrdreg $0xFFFFFFFF  }
0xb1: {  	[dreg:$0x0] =	wrdreg $0x60  }
0xb2: {  	[dreg:$0x2] =	wrdreg s2  }
0xb3: {  	[dreg:$0x3] =	wrdreg s18  }
0xb4: {  	[dreg:$0x4] =	wrdreg s4  }
0xb5: {  	[dreg:$0x5] =	wrdreg s5  }
0xb6: {  	[dreg:$0x6] =	wrdreg s6  }
0xb7: {  	[dreg:$0x7] =	wrdreg s24  }
0xb8: {  	[dreg:$0x8] =	wrdreg $0x9  }
0xb9: {  	_ =	task.clear_ibuf [dreg:s11], $0x9FFFF;
	_ =	strace $0x90000046  }
0xba: {  	s29 =	simm.s32 $0x9;
	_ =	strace $0x80000048  }
0xbb: {  	_ =	swait.ge [sflag:s29], $0x1  }
0xbc: {  	[sflag:s29] =	ssyncadd.s32 $0xFFFFFFFF  }
0xbd: {  	_ =	strace $0x90000048  }
0xbe: {  	_ =	sfence  }
0xbf: {  	s30 =	sld [smem:$0x0];
	_ =	sdelay $0x2  }
0xc0: {  	s31 =	sshll.u32 s1, $0xD;
	s1 =	sshrl.u32 s1, $0x2  }
0xc1: {  	s3 =	sand.u32 $0x4000, s31;
	s1 =	sadd.s32 s1, s30  }
0xc2: {  	s0 =	sor.u32 s3, s0;
	s1 =	sshll.u32 s1, $0x11  }
0xc3: {  	s0 =	sor.u32 s1, s0  }
0xc4: {  	s0 =	sadd.s32 $0x8F2B, s0  }
0xc5: {  	[sflag:s0] =	ssyncadd.remote.s32 $0x1  }
0xc6: {  	_ =	sfence.sel $0xFFFF  }
0xc7: {  	[dreg:$0x0] =	wrdreg $0xFFFFFFFF;
	(pc) =	sbr.abs _section_cstart, $3  }
0xc8: {  	[dreg:$0x1] =	wrdreg $0xFFFFFFFF  }
0xc9: {  	_ =	task.clear_ibuf [dreg:s11], $0x2FFFF;
	_ =	strace $0x9FFFFFFF  }
0xca: {  	(tm) =	ssettm $0x7FFFFFFF  }
0xcb: {  	_ =	shalt  }
tec
execute0_lowered:
.L_overlay_start_1:
0x0: {  	(tag) =	ssettag $0x1  }
0x1: {  	s0 =	rddreg [dreg:$0x0]  }
0x2: {  	s3 =	rddreg [dreg:$0x1]  }
0x3: {  	s1 =	rddreg [dreg:$0x2]  }
0x4: {  	s2 =	rddreg [dreg:$0x3];
	s4 =	srdreg.scid  }
0x5: {  	s6 =	stileid.u32;
	s7 =	rddreg [dreg:$0x5];
	v0 =	vimm.s32 $0xFEDCBA98  }
0x6: {  	v1 =	vimm.s32 $0x76543210;
	v2 =	vimm.s32 $0xBA98FEDC;
	v3 =	vimm.s32 $0x32107654;
	s20 =	simm.s32 $0x1;
	s21 =	simm.s32 $0x4;
	s22 =	simm.s32 $0x80  }
0x7: {  	v4 =	vimm.s32 $0xDCFE98BA;
	v5 =	vimm.s32 $0x54761032;
	s28 =	simm.s32 $0x7;
	s29 =	simm.s32 $0x8;
	s30 =	simm.s32 $0x9  }
0x8: {  	v6 =	vimm.s32 $0xEFCDAB89;
	v7 =	vimm.s32 $0x67452301;
	s31 =	simm.s32 $0xA;
	s4 =	sand.u32 $0x1, s4;
	s5 =	sshll.u32 s6, $0x1  }
0x9: {  	s6 =	sshll.u32 s6, $0x7;
	s25 =	sadd.s32 $0x200, s7;
	v0 =	vunpack.c.l.s4.s8 v0;
	v1 =	vunpack.c.l.s4.s8 v1;
	v2 =	vunpack.c.l.s4.s8 v2;
	s8 =	sor.u32 s4, s5  }
0xa: {  	v3 =	vunpack.c.l.s4.s8 v3;
	v4 =	vunpack.c.l.s4.s8 v4;
	v5 =	vunpack.c.l.s4.s8 v5;
	s5 =	simm.s32 $0x0;
	s4 =	ssub.s32 $0x2, s4;
	s9 =	sshll.u32 s8, $0x4  }
0xb: {  	v6 =	vunpack.c.l.s4.s8 v6;
	v7 =	vunpack.c.l.s4.s8 v7;
	[smem:$0x7FF] =	sst s5;
	s26 =	sshrl.u32 s4, $0x1;
	s11 =	sshll.u32 s8, $0x6;
	v0 =	vunpack.c.0.s8.s32 v0  }
0xc: {  	v2 =	vunpack.c.0.s8.s32 v2;
	v3 =	vunpack.c.0.s8.s32 v3;
	v4 =	vunpack.c.0.s8.s32 v4;
	s6 =	sor.u32 s6, s9;
	_ =	strace $0x80000047;
	[dreg:$0x7] =	wrdreg s25  }
0xd: {  	v5 =	vunpack.c.0.s8.s32 v5;
	v6 =	vunpack.c.0.s8.s32 v6;
	v7 =	vunpack.c.0.s8.s32 v7;
	s4 =	ssub.s32 s4, s26;
	s14 =	sadd.s32 s0, s11;
	s15 =	sadd.s32 s3, s11  }
0xe: {  	v1 =	vunpack.c.0.s8.s32 v1;
	s25 =	simm.s32 $0x3;
	s26 =	simm.s32 $0x6;
	s9 =	sand.u32 $0x670, s6;
	v2 =	vcombine.low v3, v2  }
0xf: {  	s0 =	simm.s32 $0x2;
	s3 =	simm.s32 $0x0;
	v3 =	vcombine.low v5, v4;
	v4 =	vcombine.low v7, v6;
	v0 =	vand.u32 $0xF, v0;
	s10 =	sadd.s32 s9, s7  }
0x10: {  	s16 =	smax.u32 s4, $0x1;
	s4 =	simm.s32 $0x5;
	v0 =	vcombine.low v0, v1;
	s7 =	sadd.s32 $0x400, s10;
	v1 =	vand.u32 $0xF, v2  }
0x11: {  	s8 =	sadd.s32 $0x480, s10;
	s9 =	sadd.s32 $0x500, s10;
	s10 =	sadd.s32 $0x580, s10;
	v2 =	vand.u32 $0xF, v3;
	v3 =	vand.u32 $0xF, v4;
	v4 =	vlaneseq.u32  }
.LBB2_1:
0x12: {  	[tilespmem:s5], [sflag:$0x1] =	stream.linear.gather [hbm4b:s14+s5], $0x200, $0x38;
	[tilespmem:$0x18A80] =	vst v63  }
0x13: {  	s11 =	simm.s32 $0x200  }
0x14: {  	[tilespmem:s11], [sflag:$0x4] =	stream.linear.gather [hbm4b:s15+s5], $0x200, $0x38;
	[tilespmem:$0x18A80] =	vst v63  }
0x15: {  	s6 =	rddreg [dreg:$0x4];
	s12 =	simm.s32 $0x18400  }
0x16: {  	[tilespmem:s12], [sflag:$0x3] =	stream.linear.gather [hbm4b:s6+s5], $0x400, $0x38;
	[tilespmem:$0x18A80] =	vst v63  }
0x17: {  	s18 =	rddreg [dreg:$0x7];
	s19 =	simm.s32 $0x18800  }
0x18: {  	[tilespmem:s19], [sflag:$0x6] =	stream.linear.gather [hbm4b:s18+s5], $0x80, $0x38;
	[tilespmem:$0x18A80] =	vst v63  }
0x19: {  	_ =	swait.ge [sflag:s20], $0x200  }
0x1a: {  	[sflag:s20] =	ssyncset.done $0x0  }
0x1b: {  	[sflag:s20] =	ssyncadd.s32 $0xFFFFFE00  }
0x1c: {  	_ =	swait.ge [sflag:s21], $0x200  }
0x1d: {  	[sflag:s21] =	ssyncset.done $0x0  }
0x1e: {  	s23 =	simm.s32 $0x400;
	[sflag:s21] =	ssyncadd.s32 $0xFFFFFE00  }
0x1f: {  	[tilespmem:s23], [sflag:$0x1] =	stream.indirect.gather [hbm4b:s1+s22], $0x80, s5, s22, $0xb8;
	[tilespmem:$0x18A80] =	vst v63  }
0x20: {  	s24 =	simm.s32 $0xC400  }
0x21: {  	[tilespmem:s24], [sflag:$0x4] =	stream.indirect.gather [hbm4b:s2+s22], $0x80, s11, s22, $0xb8;
	[tilespmem:$0x18A80] =	vst v63  }
0x22: {  	s12 =	simm.s32 $0x4400  }
0x23: {  	[tilespmem:s12], [sflag:$0x2] =	stream.indirect.gather [hbm4b:s1+s22], $0x80, s22, s22, $0xb8;
	[tilespmem:$0x18A80] =	vst v63  }
0x24: {  	s13 =	simm.s32 $0x280;
	s17 =	simm.s32 $0x10400  }
0x25: {  	[tilespmem:s17], [sflag:$0x5] =	stream.indirect.gather [hbm4b:s2+s22], $0x80, s13, s22, $0xb8;
	[tilespmem:$0x18A80] =	vst v63  }
0x26: {  	_ =	swait.ge [sflag:s25], $0x400  }
0x27: {  	[sflag:s25] =	ssyncset.done $0x0  }
0x28: {  	[sflag:s25] =	ssyncadd.s32 $0xFFFFFC00  }
0x29: {  	_ =	swait.ge [sflag:s26], $0x80  }
0x2a: {  	[sflag:s26] =	ssyncset.done $0x0  }
0x2b: {  	[sflag:s26] =	ssyncadd.s32 $0xFFFFFF80  }
0x2c: {  	v5 =	vld [tilespmem:$0x18800]  }
0x2d: {  	v6 =	vld [tilespmem:$0x18400]  }
0x2e: {  	v7 =	vld [tilespmem:$0x18480]  }
0x2f: {  	v8 =	vld [tilespmem:$0x18500]  }
0x30: {  	v9 =	vld [tilespmem:$0x18580]  }
0x31: {  	v10 =	vld [tilespmem:$0x18600]  }
0x32: {  	v11 =	vld [tilespmem:$0x18680]  }
0x33: {  	v12 =	vld [tilespmem:$0x18700]  }
0x34: {  	v13 =	vld [tilespmem:$0x18780];
	_ =	swait.ge [sflag:s20], $0x4000  }
0x35: {  	[sflag:s20] =	ssyncset.done $0x0  }
0x36: {  	[sflag:s20] =	ssyncadd.s32 $0xFFFFC000  }
0x37: {  	_ =	swait.ge [sflag:s21], $0x4000  }
0x38: {  	s18 =	simm.s32 $0x100;
	s19 =	simm.s32 $0x8400;
	[sflag:s21] =	ssyncset.done $0x0  }
0x39: {  	s23 =	simm.s32 $0x300;
	s24 =	simm.s32 $0x14400;
	[sflag:s21] =	ssyncadd.s32 $0xFFFFC000  }
0x3a: {  	[tilespmem:s19], [sflag:$0x3] =	stream.indirect.gather [hbm4b:s1+s22], $0x80, s18, s22, $0xb8;
	[tilespmem:$0x18A80] =	vst v63  }
0x3b: {  	s12 =	simm.s32 $0xC480;
	s13 =	simm.s32 $0x480;
	s19 =	simm.s32 $0x0  }
0x3c: {  	[tilespmem:s24], [sflag:$0x6] =	stream.indirect.gather [hbm4b:s2+s22], $0x80, s23, s22, $0xb8;
	[tilespmem:$0x18A80] =	vst v63  }
.LBB2_2:
0x3d: {  	v17 =	vld [tilespmem:s13+$0x70]  }
0x3e: {  	v19 =	vld [tilespmem:s13+$0xFFFFFFF0]  }
0x3f: {  	v18 =	vld [tilespmem:s13+$0x60]  }
0x40: {  	v15 =	vld [tilespmem:s13+$0xFFFFFFE0]  }
0x41: {  	v16 =	vld [tilespmem:s13+$0x50]  }
0x42: {  	v14 =	vld [tilespmem:s13+$0xFFFFFFD0]  }
0x43: {  	v20 =	vld [tilespmem:s13+$0x40]  }
0x44: {  	v21 =	vld [tilespmem:s13+$0xFFFFFFC0]  }
0x45: {  	v22 =	vld [tilespmem:s13+$0x20]  }
0x46: {  	v23 =	vld [tilespmem:s12+$0x20]  }
0x47: {  	v24 =	vld [tilespmem:s13+$0xFFFFFFA0]  }
0x48: {  	v25 =	vld [tilespmem:s12+$0xFFFFFFA0]  }
0x49: {  	v26 =	vld [tilespmem:s13+$0x0]  }
0x4a: {  	v27 =	vld [tilespmem:s12+$0x0]  }
0x4b: {  	v28 =	vld [tilespmem:s13+$0x10]  }
0x4c: {  	v29 =	vld [tilespmem:s13+$0xFFFFFF80]  }
0x4d: {  	v30 =	vld [tilespmem:s12+$0xFFFFFF80]  }
0x4e: {  	v31 =	vld [tilespmem:s13+$0xFFFFFF90]  }
0x4f: {  	v32 =	vld [tilespmem:s12+$0xFFFFFF90]  }
0x50: {  	v33 =	vld [tilespmem:s12+$0x10]  }
0x51: {  	v34 =	vld [tilespmem:s13+$0x30]  }
0x52: {  	v35 =	vld [tilespmem:s13+$0xFFFFFFB0]  }
0x53: {  	v22 =	vmul.f32 v23, v22;
	v23 =	vmul.f32 v25, v24;
	v24 =	vld [tilespmem:s12+$0xFFFFFFB0]  }
0x54: {  	v25 =	vmul.f32 v30, v29;
	v29 =	vmul.f32 v32, v31;
	v30 =	vld [tilespmem:s12+$0x30]  }
0x55: {  	v31 =	vld [tilespmem:s12+$0xFFFFFFC0];
	v26 =	vmul.f32 v27, v26;
	v27 =	vmul.f32 v33, v28  }
0x56: {  	v25 =	vmul.f32 v25, v6;
	v28 =	vmul.f32 v29, v7;
	v29 =	vld [tilespmem:s12+$0x40]  }
0x57: {  	v62 =	vld [tilespmem:s12+$0xFFFFFFD0];
	v26 =	vmul.f32 v26, v6;
	v27 =	vmul.f32 v27, v7  }
0x58: {  	v23 =	vmul.f32 v23, v8;
	v25 =	vadd.f32 v28, v25;
	v28 =	vld [tilespmem:s12+$0x50];
	v24 =	vmul.f32 v24, v35  }
0x59: {  	v63 =	vld [tilespmem:s12+$0xFFFFFFE0];
	v22 =	vmul.f32 v22, v8;
	v26 =	vadd.f32 v27, v26;
	v27 =	vmul.f32 v30, v34  }
0x5a: {  	v21 =	vmul.f32 v31, v21;
	v23 =	vadd.f32 v23, v25;
	v25 =	vld [tilespmem:s12+$0x60];
	v24 =	vmul.f32 v24, v9  }
0x5b: {  	v30 =	vld [tilespmem:s12+$0xFFFFFFF0];
	v22 =	vadd.f32 v22, v26;
	v26 =	vmul.f32 v27, v9;
	v20 =	vmul.f32 v29, v20  }
0x5c: {  	s17 =	sadd.s32 $0x100, s13;
	v21 =	vmul.f32 v21, v10;
	v27 =	vld [tilespmem:s12+$0x70];
	v23 =	vadd.f32 v24, v23;
	v24 =	vmul.f32 v62, v14  }
0x5d: {  	s11 =	sadd.s32 $0x100, s12;
	v36 =	vld [tilespmem:s17+$0xFFFFFF90];
	v22 =	vadd.f32 v26, v22;
	v20 =	vmul.f32 v20, v10;
	v26 =	vmul.f32 v28, v16  }
0x5e: {  	v37 =	vld [tilespmem:s11+$0xFFFFFF90];
	v21 =	vadd.f32 v21, v23;
	v23 =	vmul.f32 v24, v11;
	v24 =	vmul.f32 v63, v15  }
0x5f: {  	v33 =	vld [tilespmem:s11+$0xFFFFFFA0];
	v20 =	vadd.f32 v20, v22;
	v22 =	vmul.f32 v26, v11;
	v25 =	vmul.f32 v25, v18  }
0x60: {  	v32 =	vld [tilespmem:s17+$0x10];
	v21 =	vadd.f32 v23, v21;
	v23 =	vmul.f32 v24, v12;
	v24 =	vmul.f32 v30, v19  }
0x61: {  	v31 =	vld [tilespmem:s17+$0xFFFFFFA0];
	v17 =	vmul.f32 v27, v17;
	v22 =	vadd.f32 v22, v20;
	v25 =	vmul.f32 v25, v12  }
0x62: {  	v34 =	vld [tilespmem:s17+$0xFFFFFF80];
	v23 =	vadd.f32 v23, v21;
	v24 =	vmul.f32 v24, v13  }
0x63: {  	v35 =	vld [tilespmem:s11+$0xFFFFFF80];
	v17 =	vmul.f32 v17, v13;
	v25 =	vadd.f32 v25, v22  }
0x64: {  	v29 =	vld [tilespmem:s11+$0x0];
	v23 =	vadd.f32 v24, v23  }
0x65: {  	v14 =	vld [tilespmem:s17+$0x70];
	v17 =	vadd.f32 v17, v25  }
0x66: {  	v16 =	vld [tilespmem:s17+$0xFFFFFFF0];
	v24 =	vperm.xlane v23, v0  }
0x67: {  	v28 =	vld [tilespmem:s17+$0x0];
	v25 =	vperm.xlane v17, v0  }
0x68: {  	v15 =	vld [tilespmem:s17+$0x60];
	v23 =	vadd.f32 v23, v24  }
0x69: {  	v18 =	vld [tilespmem:s17+$0xFFFFFFE0];
	v17 =	vadd.f32 v17, v25  }
0x6a: {  	v27 =	vld [tilespmem:s17+$0x20];
	v24 =	vperm.xlane v23, v1  }
0x6b: {  	v19 =	vld [tilespmem:s17+$0x50];
	v25 =	vperm.xlane v17, v1  }
0x6c: {  	v20 =	vld [tilespmem:s17+$0xFFFFFFD0];
	v24 =	vadd.f32 v23, v24  }
0x6d: {  	v30 =	vld [tilespmem:s11+$0x20];
	v23 =	vadd.f32 v17, v25  }
0x6e: {  	v21 =	vld [tilespmem:s17+$0x40];
	v25 =	vperm.xlane v24, v2  }
0x6f: {  	s24 =	simm.s32 $0x0;
	s23 =	simm.s32 $0x2;
	s18 =	simm.s32 $0x4;
	v22 =	vld [tilespmem:s17+$0xFFFFFFC0];
	v17 =	vmov v5;
	v26 =	vperm.xlane v23, v2  }
.LBB2_3:
0x70: {  	p0 =	slt.u32 s18, $0xE;
	v38 =	vld [tilespmem:s11+$0x10];
	v24 =	vadd.f32 v24, v25;
	v25 =	vmov s24  }
0x71: {  	s6 =	sadd.s32 $0x1, s24;
	s24 =	smov.u32 s23;
	s23 =	smov.u32 s18;
	v39 =	vld [tilespmem:s17+$0x30];
	vm0 =	veq.s32 v25, v4;
	v23 =	vadd.f32 v23, v26  }
0x72: {  	v26 =	vmul.f32 v30, v27;
	v30 =	vmov s6;
	v25 =	vld [tilespmem:s17+$0xFFFFFFB0];
	v27 =	vperm.xlane v24, v3  }
0x73: {  	v31 =	vmul.f32 v33, v31;
	vm1 =	veq.s32 v30, v4;
	v33 =	vld [tilespmem:s11+$0xFFFFFFB0];
	v40 =	vperm.xlane v23, v3  }
0x74: {  	v30 =	vmul.f32 v35, v34;
	v34 =	vmul.f32 v37, v36;
	v35 =	vld [tilespmem:s11+$0x30];
	v24 =	vadd.f32 v24, v27  }
0x75: {  	v28 =	vmul.f32 v29, v28;
	v27 =	vld [tilespmem:s11+$0xFFFFFFC0];
	v29 =	vmul.f32 v38, v32;
	v23 =	vadd.f32 v23, v40  }
0x76: {  	v30 =	vmul.f32 v30, v6;
	v32 =	vmul.f32 v34, v7;
	v34 =	vld [tilespmem:s11+$0x40];
	v17 =	vsel vm0, v24, v17  }
0x77: {  	v28 =	vmul.f32 v28, v6;
	v24 =	vld [tilespmem:s11+$0xFFFFFFD0];
	v29 =	vmul.f32 v29, v7;
	v17 =	vsel vm1, v23, v17  }
0x78: {  	v23 =	vadd.f32 v32, v30;
	v30 =	vmul.f32 v31, v8;
	v25 =	vmul.f32 v33, v25;
	v31 =	vld [tilespmem:s11+$0x50]  }
0x79: {  	v26 =	vmul.f32 v26, v8;
	v32 =	vld [tilespmem:s11+$0xFFFFFFE0];
	v28 =	vadd.f32 v29, v28;
	v29 =	vmul.f32 v35, v39  }
0x7a: {  	v23 =	vadd.f32 v30, v23;
	v25 =	vmul.f32 v25, v9;
	v22 =	vmul.f32 v27, v22;
	v27 =	vld [tilespmem:s11+$0x60]  }
0x7b: {  	v30 =	vld [tilespmem:s11+$0xFFFFFFF0];
	v26 =	vadd.f32 v26, v28;
	v28 =	vmul.f32 v29, v9;
	v21 =	vmul.f32 v34, v21  }
0x7c: {  	s17 =	sadd.s32 $0x100, s17;
	v23 =	vadd.f32 v25, v23;
	v22 =	vmul.f32 v22, v10;
	v20 =	vmul.f32 v24, v20;
	v24 =	vld [tilespmem:s11+$0x70]  }
0x7d: {  	v25 =	vld [tilespmem:s17+$0x70];
	v26 =	vadd.f32 v28, v26;
	v21 =	vmul.f32 v21, v10;
	v19 =	vmul.f32 v31, v19  }
0x7e: {  	v28 =	vld [tilespmem:s17+$0xFFFFFFF0];
	v22 =	vadd.f32 v22, v23;
	v20 =	vmul.f32 v20, v11;
	v23 =	vmul.f32 v32, v18  }
0x7f: {  	v21 =	vadd.f32 v21, v26;
	v26 =	vmul.f32 v19, v11;
	v27 =	vmul.f32 v27, v15;
	v15 =	vld [tilespmem:s17+$0x60]  }
0x80: {  	v18 =	vld [tilespmem:s17+$0xFFFFFFE0];
	v22 =	vadd.f32 v20, v22;
	v23 =	vmul.f32 v23, v12;
	v30 =	vmul.f32 v30, v16  }
0x81: {  	v19 =	vld [tilespmem:s17+$0x50];
	v26 =	vadd.f32 v26, v21;
	v27 =	vmul.f32 v27, v12;
	v24 =	vmul.f32 v24, v14  }
0x82: {  	v20 =	vld [tilespmem:s17+$0xFFFFFFD0];
	v23 =	vadd.f32 v23, v22;
	v29 =	vmul.f32 v30, v13;
	v14 =	vmov v25  }
0x83: {  	v21 =	vld [tilespmem:s17+$0x40];
	v25 =	vadd.f32 v27, v26;
	v24 =	vmul.f32 v24, v13;
	v16 =	vmov v28  }
0x84: {  	v22 =	vld [tilespmem:s17+$0xFFFFFFC0];
	v23 =	vadd.f32 v29, v23  }
0x85: {  	s11 =	sadd.s32 $0x100, s11;
	v27 =	vld [tilespmem:s17+$0x20];
	v24 =	vadd.f32 v24, v25  }
0x86: {  	v30 =	vld [tilespmem:s11+$0x20];
	v25 =	vperm.xlane v23, v0  }
0x87: {  	v31 =	vld [tilespmem:s17+$0xFFFFFFA0];
	v26 =	vperm.xlane v24, v0  }
0x88: {  	v33 =	vld [tilespmem:s11+$0xFFFFFFA0];
	v23 =	vadd.f32 v23, v25  }
0x89: {  	v28 =	vld [tilespmem:s17+$0x0];
	v25 =	vadd.f32 v24, v26  }
0x8a: {  	v29 =	vld [tilespmem:s11+$0x0];
	v24 =	vperm.xlane v23, v1  }
.Ltmp0:
0x8b: {  	v32 =	vld [tilespmem:s17+$0x10];
	v26 =	vperm.xlane v25, v1;
	(pc) =	sbr.rel @p0 .LBB2_3-.Ltmp0, $4  }
0x8c: {  	v34 =	vld [tilespmem:s17+$0xFFFFFF80];
	v24 =	vadd.f32 v23, v24  }
0x8d: {  	v35 =	vld [tilespmem:s11+$0xFFFFFF80];
	v23 =	vadd.f32 v25, v26  }
0x8e: {  	v36 =	vld [tilespmem:s17+$0xFFFFFF90];
	v25 =	vperm.xlane v24, v2  }
0x8f: {  	s18 =	sadd.s32 $0x2, s18;
	v37 =	vld [tilespmem:s11+$0xFFFFFF90];
	v26 =	vperm.xlane v23, v2  }
0x90: {  	v38 =	vld [tilespmem:s11+$0x10]  }
0x91: {  	v39 =	vld [tilespmem:s17+$0x30]  }
0x92: {  	v40 =	vld [tilespmem:s17+$0xFFFFFFB0]  }
0x93: {  	v27 =	vmul.f32 v30, v27;
	v56 =	vmul.f32 v33, v31;
	v57 =	vld [tilespmem:s11+$0xFFFFFFB0]  }
0x94: {  	v60 =	vld [tilespmem:s11+$0x30];
	v58 =	vmul.f32 v35, v34;
	v59 =	vmul.f32 v37, v36  }
0x95: {  	v61 =	vld [tilespmem:s11+$0xFFFFFFC0];
	v28 =	vmul.f32 v29, v28;
	v62 =	vmul.f32 v38, v32  }
0x96: {  	v42 =	vld [tilespmem:s11+$0x40];
	v63 =	vmul.f32 v58, v6;
	v41 =	vmul.f32 v59, v7  }
0x97: {  	v43 =	vld [tilespmem:s11+$0xFFFFFFD0];
	v28 =	vmul.f32 v28, v6;
	v29 =	vmul.f32 v62, v7  }
0x98: {  	v44 =	vld [tilespmem:s11+$0x50];
	v30 =	vmul.f32 v56, v8;
	v31 =	vmul.f32 v57, v40;
	v32 =	vadd.f32 v41, v63  }
0x99: {  	v45 =	vld [tilespmem:s11+$0xFFFFFFE0];
	v27 =	vmul.f32 v27, v8;
	v46 =	vmul.f32 v60, v39;
	v28 =	vadd.f32 v29, v28  }
0x9a: {  	v47 =	vld [tilespmem:s11+$0x60];
	v22 =	vmul.f32 v61, v22;
	v31 =	vmul.f32 v31, v9;
	v30 =	vadd.f32 v30, v32  }
0x9b: {  	v48 =	vld [tilespmem:s11+$0xFFFFFFF0];
	v21 =	vmul.f32 v42, v21;
	v49 =	vmul.f32 v46, v9;
	v27 =	vadd.f32 v27, v28  }
0x9c: {  	v51 =	vld [tilespmem:s11+$0x70];
	v20 =	vmul.f32 v43, v20;
	v22 =	vmul.f32 v22, v10;
	v50 =	vadd.f32 v31, v30  }
0x9d: {  	v19 =	vmul.f32 v44, v19;
	v21 =	vmul.f32 v21, v10;
	v27 =	vadd.f32 v49, v27  }
0x9e: {  	v18 =	vmul.f32 v45, v18;
	v20 =	vmul.f32 v20, v11;
	v22 =	vadd.f32 v22, v50  }
0x9f: {  	v15 =	vmul.f32 v47, v15;
	v19 =	vmul.f32 v19, v11;
	v21 =	vadd.f32 v21, v27  }
0xa0: {  	v16 =	vmul.f32 v48, v16;
	v18 =	vmul.f32 v18, v12;
	v20 =	vadd.f32 v20, v22  }
0xa1: {  	v14 =	vmul.f32 v51, v14;
	v15 =	vmul.f32 v15, v12;
	v19 =	vadd.f32 v19, v21  }
0xa2: {  	v16 =	vmul.f32 v16, v13;
	v18 =	vadd.f32 v18, v20  }
0xa3: {  	v14 =	vmul.f32 v14, v13;
	v15 =	vadd.f32 v15, v19  }
0xa4: {  	v16 =	vadd.f32 v16, v18  }
0xa5: {  	v14 =	vadd.f32 v14, v15  }
0xa6: {  	v15 =	vperm.xlane v16, v0  }
0xa7: {  	v52 =	vperm.xlane v14, v0  }
0xa8: {  	v15 =	vadd.f32 v16, v15  }
0xa9: {  	v14 =	vadd.f32 v14, v52  }
0xaa: {  	v16 =	vperm.xlane v15, v1  }
0xab: {  	v18 =	vperm.xlane v14, v1  }
0xac: {  	v15 =	vadd.f32 v15, v16  }
0xad: {  	v53 =	vadd.f32 v24, v25;
	v14 =	vadd.f32 v14, v18  }
0xae: {  	v54 =	vadd.f32 v23, v26;
	v55 =	vperm.xlane v15, v2  }
0xaf: {  	v56 =	vperm.xlane v53, v3;
	v57 =	vperm.xlane v14, v2  }
0xb0: {  	s6 =	sadd.s32 $0x1, s24;
	v23 =	vperm.xlane v54, v3;
	v58 =	vmov s24;
	v15 =	vadd.f32 v15, v55  }
0xb1: {  	vm0 =	veq.s32 v58, v4;
	v59 =	vmov s6;
	v14 =	vadd.f32 v14, v57  }
0xb2: {  	s24 =	sshll.u32 s19, $0x4;
	s19 =	sadd.s32 $0x1, s19;
	vm1 =	veq.s32 v59, v4;
	v16 =	vadd.f32 v53, v56;
	v60 =	vperm.xlane v15, v3  }
0xb3: {  	p0 =	sne.s32 s19, $0x8;
	v62 =	vmov s23;
	v18 =	vadd.f32 v54, v23;
	v61 =	vperm.xlane v14, v3  }
.Ltmp1:
0xb4: {  	s23 =	sadd.s32 $0x1, s23;
	vm14 =	veq.s32 v62, v4;
	v16 =	vsel vm0, v16, v17;
	v15 =	vadd.f32 v15, v60;
	(pc) =	sbr.rel @p0 .LBB2_2-.Ltmp1, $4  }
0xb5: {  	v63 =	vmov s23;
	v16 =	vsel vm1, v18, v16;
	v14 =	vadd.f32 v14, v61  }
0xb6: {  	vm15 =	veq.s32 v63, v4;
	v15 =	vsel vm14, v15, v16  }
0xb7: {  	s6 =	sand.u32 $0x3FFFFFF0, s24;
	v14 =	vsel vm15, v14, v15  }
0xb8: {  	s12 =	sadd.s32 $0x800, s12;
	s13 =	sadd.s32 $0x800, s13;
	[tilespmem:s6+$0x18880] =	vst v14  }
0xb9: {  	s12 =	simm.s32 $0x0;
	s6 =	simm.s32 $0x18880  }
0xba: {  	[hbm4b:s7+s12] =	stream.linear.scatter [tilespmem:s6], [sflag:$0x7], $0x80, $0x38;
	[tilespmem:$0x18A80] =	vst v63  }
0xbb: {  	_ =	swait.ge [sflag:s0], $0x4000  }
0xbc: {  	[sflag:s0] =	ssyncset.done $0x0  }
0xbd: {  	[sflag:s0] =	ssyncadd.s32 $0xFFFFC000  }
0xbe: {  	_ =	swait.ge [sflag:s4], $0x4000  }
0xbf: {  	[sflag:s4] =	ssyncset.done $0x0  }
0xc0: {  	s19 =	simm.s32 $0x400;
	s11 =	simm.s32 $0x180;
	[sflag:s4] =	ssyncadd.s32 $0xFFFFC000  }
0xc1: {  	[tilespmem:s19], [sflag:$0x1] =	stream.indirect.gather [hbm4b:s1+s22], $0x80, s11, s22, $0xb8;
	[tilespmem:$0x18A80] =	vst v63  }
0xc2: {  	s23 =	simm.s32 $0xC400;
	s24 =	simm.s32 $0x380;
	s13 =	simm.s32 $0x0  }
0xc3: {  	[tilespmem:s23], [sflag:$0x4] =	stream.indirect.gather [hbm4b:s2+s22], $0x80, s24, s22, $0xb8;
	[tilespmem:$0x18A80] =	vst v63  }
.LBB2_6:
0xc4: {  	s6 =	sshra.s32 s12, $0x2  }
0xc5: {  	v17 =	vld [tilespmem:s6+$0x44F0]  }
0xc6: {  	v19 =	vld [tilespmem:s6+$0x4470]  }
0xc7: {  	v18 =	vld [tilespmem:s6+$0x44E0]  }
0xc8: {  	v15 =	vld [tilespmem:s6+$0x4460]  }
0xc9: {  	v16 =	vld [tilespmem:s6+$0x44D0]  }
0xca: {  	v14 =	vld [tilespmem:s6+$0x4450]  }
0xcb: {  	v20 =	vld [tilespmem:s6+$0x44C0]  }
0xcc: {  	v21 =	vld [tilespmem:s6+$0x4440]  }
0xcd: {  	v22 =	vld [tilespmem:s6+$0x44A0]  }
0xce: {  	v23 =	vld [tilespmem:s6+$0x104A0]  }
0xcf: {  	v24 =	vld [tilespmem:s6+$0x4420]  }
0xd0: {  	v25 =	vld [tilespmem:s6+$0x10420]  }
0xd1: {  	v26 =	vld [tilespmem:s6+$0x4480]  }
0xd2: {  	v27 =	vld [tilespmem:s6+$0x10480]  }
0xd3: {  	v28 =	vld [tilespmem:s6+$0x4490]  }
0xd4: {  	v29 =	vld [tilespmem:s6+$0x4400]  }
0xd5: {  	v30 =	vld [tilespmem:s6+$0x10400]  }
0xd6: {  	v31 =	vld [tilespmem:s6+$0x4410]  }
0xd7: {  	v32 =	vld [tilespmem:s6+$0x10410]  }
0xd8: {  	v33 =	vld [tilespmem:s6+$0x10490]  }
0xd9: {  	v34 =	vld [tilespmem:s6+$0x44B0]  }
0xda: {  	v35 =	vld [tilespmem:s6+$0x4430]  }
0xdb: {  	v22 =	vmul.f32 v23, v22;
	v23 =	vmul.f32 v25, v24;
	v24 =	vld [tilespmem:s6+$0x10430]  }
0xdc: {  	v25 =	vmul.f32 v30, v29;
	v29 =	vmul.f32 v32, v31;
	v30 =	vld [tilespmem:s6+$0x104B0]  }
0xdd: {  	v31 =	vld [tilespmem:s6+$0x10440];
	v26 =	vmul.f32 v27, v26;
	v27 =	vmul.f32 v33, v28  }
0xde: {  	v25 =	vmul.f32 v25, v6;
	v28 =	vmul.f32 v29, v7;
	v29 =	vld [tilespmem:s6+$0x104C0]  }
0xdf: {  	v62 =	vld [tilespmem:s6+$0x10450];
	v26 =	vmul.f32 v26, v6;
	v27 =	vmul.f32 v27, v7  }
0xe0: {  	v23 =	vmul.f32 v23, v8;
	v25 =	vadd.f32 v28, v25;
	v28 =	vld [tilespmem:s6+$0x104D0];
	v24 =	vmul.f32 v24, v35  }
0xe1: {  	v63 =	vld [tilespmem:s6+$0x10460];
	v22 =	vmul.f32 v22, v8;
	v26 =	vadd.f32 v27, v26;
	v27 =	vmul.f32 v30, v34  }
0xe2: {  	v21 =	vmul.f32 v31, v21;
	v23 =	vadd.f32 v23, v25;
	v25 =	vld [tilespmem:s6+$0x104E0];
	v24 =	vmul.f32 v24, v9  }
0xe3: {  	s11 =	sadd.s32 $0x400, s12;
	v30 =	vld [tilespmem:s6+$0x10470];
	v22 =	vadd.f32 v22, v26;
	v26 =	vmul.f32 v27, v9;
	v20 =	vmul.f32 v29, v20  }
0xe4: {  	s23 =	sshra.s32 s11, $0x2;
	v21 =	vmul.f32 v21, v10;
	v27 =	vld [tilespmem:s6+$0x104F0];
	v23 =	vadd.f32 v24, v23;
	v24 =	vmul.f32 v62, v14  }
0xe5: {  	v32 =	vld [tilespmem:s23+$0x10420];
	v22 =	vadd.f32 v26, v22;
	v20 =	vmul.f32 v20, v10;
	v26 =	vmul.f32 v28, v16  }
0xe6: {  	v33 =	vld [tilespmem:s23+$0x4400];
	v21 =	vadd.f32 v21, v23;
	v23 =	vmul.f32 v24, v11;
	v24 =	vmul.f32 v63, v15  }
0xe7: {  	v31 =	vld [tilespmem:s23+$0x4490];
	v20 =	vadd.f32 v20, v22;
	v22 =	vmul.f32 v26, v11;
	v25 =	vmul.f32 v25, v18  }
0xe8: {  	v34 =	vld [tilespmem:s23+$0x10400];
	v21 =	vadd.f32 v23, v21;
	v23 =	vmul.f32 v24, v12;
	v24 =	vmul.f32 v30, v19  }
0xe9: {  	v35 =	vld [tilespmem:s23+$0x4410];
	v17 =	vmul.f32 v27, v17;
	v22 =	vadd.f32 v22, v20;
	v25 =	vmul.f32 v25, v12  }
0xea: {  	v29 =	vld [tilespmem:s23+$0x104A0];
	v23 =	vadd.f32 v23, v21;
	v24 =	vmul.f32 v24, v13  }
0xeb: {  	v14 =	vld [tilespmem:s23+$0x44F0];
	v17 =	vmul.f32 v17, v13;
	v25 =	vadd.f32 v25, v22  }
0xec: {  	v16 =	vld [tilespmem:s23+$0x4470];
	v23 =	vadd.f32 v24, v23  }
0xed: {  	v28 =	vld [tilespmem:s23+$0x10480];
	v17 =	vadd.f32 v17, v25  }
0xee: {  	v15 =	vld [tilespmem:s23+$0x44E0];
	v24 =	vperm.xlane v23, v0  }
0xef: {  	v18 =	vld [tilespmem:s23+$0x4460];
	v25 =	vperm.xlane v17, v0  }
0xf0: {  	v26 =	vld [tilespmem:s23+$0x4480];
	v23 =	vadd.f32 v23, v24  }
0xf1: {  	v27 =	vld [tilespmem:s23+$0x44A0];
	v17 =	vadd.f32 v17, v25  }
0xf2: {  	v19 =	vld [tilespmem:s23+$0x44D0];
	v24 =	vperm.xlane v23, v1  }
0xf3: {  	v20 =	vld [tilespmem:s23+$0x4450];
	v25 =	vperm.xlane v17, v1  }
0xf4: {  	v30 =	vld [tilespmem:s23+$0x4420];
	v24 =	vadd.f32 v23, v24  }
0xf5: {  	v21 =	vld [tilespmem:s23+$0x44C0];
	v23 =	vadd.f32 v17, v25  }
0xf6: {  	s19 =	simm.s32 $0x2;
	s17 =	simm.s32 $0x4;
	s24 =	simm.s32 $0x0;
	v22 =	vld [tilespmem:s23+$0x4440];
	v17 =	vmov v5;
	v25 =	vperm.xlane v24, v2  }
.LBB2_7:
0xf7: {  	p0 =	slt.u32 s17, $0xE;
	v36 =	vld [tilespmem:s23+$0x10410];
	v37 =	vperm.xlane v23, v2  }
0xf8: {  	v38 =	vld [tilespmem:s23+$0x10490];
	v24 =	vadd.f32 v24, v25;
	v25 =	vmov s24  }
0xf9: {  	s6 =	sadd.s32 $0x1, s24;
	s24 =	smov.u32 s19;
	s19 =	smov.u32 s17;
	v39 =	vld [tilespmem:s23+$0x44B0];
	vm0 =	veq.s32 v25, v4;
	v23 =	vadd.f32 v23, v37  }
0xfa: {  	v27 =	vmul.f32 v29, v27;
	v37 =	vmov s6;
	v25 =	vld [tilespmem:s23+$0x4430];
	v29 =	vperm.xlane v24, v3  }
0xfb: {  	v30 =	vmul.f32 v32, v30;
	vm1 =	veq.s32 v37, v4;
	v32 =	vld [tilespmem:s23+$0x10430];
	v40 =	vperm.xlane v23, v3  }
0xfc: {  	v33 =	vmul.f32 v34, v33;
	v34 =	vmul.f32 v36, v35;
	v35 =	vld [tilespmem:s23+$0x104B0];
	v24 =	vadd.f32 v24, v29  }
0xfd: {  	v26 =	vmul.f32 v28, v26;
	v29 =	vld [tilespmem:s23+$0x10440];
	v28 =	vmul.f32 v38, v31;
	v23 =	vadd.f32 v23, v40  }
0xfe: {  	v31 =	vmul.f32 v33, v6;
	v33 =	vmul.f32 v34, v7;
	v34 =	vld [tilespmem:s23+$0x104C0];
	v17 =	vsel vm0, v24, v17  }
0xff: {  	v26 =	vmul.f32 v26, v6;
	v24 =	vld [tilespmem:s23+$0x10450];
	v28 =	vmul.f32 v28, v7;
	v17 =	vsel vm1, v23, v17  }
0x100: {  	v30 =	vmul.f32 v30, v8;
	v23 =	vadd.f32 v33, v31;
	v25 =	vmul.f32 v32, v25;
	v31 =	vld [tilespmem:s23+$0x104D0]  }
0x101: {  	v27 =	vmul.f32 v27, v8;
	v32 =	vld [tilespmem:s23+$0x10460];
	v26 =	vadd.f32 v28, v26;
	v28 =	vmul.f32 v35, v39  }
0x102: {  	v23 =	vadd.f32 v30, v23;
	v25 =	vmul.f32 v25, v9;
	v22 =	vmul.f32 v29, v22;
	v29 =	vld [tilespmem:s23+$0x104E0]  }
0x103: {  	s11 =	sadd.s32 $0x400, s11;
	v30 =	vld [tilespmem:s23+$0x10470];
	v26 =	vadd.f32 v27, v26;
	v27 =	vmul.f32 v28, v9;
	v21 =	vmul.f32 v34, v21  }
0x104: {  	v23 =	vadd.f32 v25, v23;
	v22 =	vmul.f32 v22, v10;
	v20 =	vmul.f32 v24, v20;
	v24 =	vld [tilespmem:s23+$0x104F0];
	s23 =	sshra.s32 s11, $0x2  }
0x105: {  	v25 =	vld [tilespmem:s23+$0x44F0];
	v26 =	vadd.f32 v27, v26;
	v21 =	vmul.f32 v21, v10;
	v19 =	vmul.f32 v31, v19  }
0x106: {  	v27 =	vld [tilespmem:s23+$0x4470];
	v22 =	vadd.f32 v22, v23;
	v20 =	vmul.f32 v20, v11;
	v23 =	vmul.f32 v32, v18  }
0x107: {  	v21 =	vadd.f32 v21, v26;
	v26 =	vmul.f32 v19, v11;
	v28 =	vmul.f32 v29, v15;
	v15 =	vld [tilespmem:s23+$0x44E0]  }
0x108: {  	v18 =	vld [tilespmem:s23+$0x4460];
	v22 =	vadd.f32 v20, v22;
	v23 =	vmul.f32 v23, v12;
	v30 =	vmul.f32 v30, v16  }
0x109: {  	v19 =	vld [tilespmem:s23+$0x44D0];
	v26 =	vadd.f32 v26, v21;
	v28 =	vmul.f32 v28, v12;
	v24 =	vmul.f32 v24, v14  }
0x10a: {  	v20 =	vld [tilespmem:s23+$0x4450];
	v23 =	vadd.f32 v23, v22;
	v29 =	vmul.f32 v30, v13;
	v14 =	vmov v25  }
0x10b: {  	v21 =	vld [tilespmem:s23+$0x44C0];
	v25 =	vadd.f32 v28, v26;
	v24 =	vmul.f32 v24, v13;
	v16 =	vmov v27  }
0x10c: {  	v22 =	vld [tilespmem:s23+$0x4440];
	v23 =	vadd.f32 v29, v23  }
0x10d: {  	v27 =	vld [tilespmem:s23+$0x44A0];
	v24 =	vadd.f32 v24, v25  }
0x10e: {  	v29 =	vld [tilespmem:s23+$0x104A0];
	v25 =	vperm.xlane v23, v0  }
0x10f: {  	v30 =	vld [tilespmem:s23+$0x4420];
	v28 =	vperm.xlane v24, v0  }
0x110: {  	v32 =	vld [tilespmem:s23+$0x10420];
	v23 =	vadd.f32 v23, v25  }
0x111: {  	v26 =	vld [tilespmem:s23+$0x4480];
	v25 =	vadd.f32 v24, v28  }
.Ltmp2:
0x112: {  	v28 =	vld [tilespmem:s23+$0x10480];
	v24 =	vperm.xlane v23, v1;
	(pc) =	sbr.rel @p0 .LBB2_7-.Ltmp2, $4  }
0x113: {  	v31 =	vld [tilespmem:s23+$0x4490];
	v35 =	vperm.xlane v25, v1  }
0x114: {  	v33 =	vld [tilespmem:s23+$0x4400];
	v24 =	vadd.f32 v23, v24  }
0x115: {  	v34 =	vld [tilespmem:s23+$0x10400];
	v23 =	vadd.f32 v25, v35  }
0x116: {  	s17 =	sadd.s32 $0x2, s17;
	v35 =	vld [tilespmem:s23+$0x4410];
	v25 =	vperm.xlane v24, v2  }
0x117: {  	v36 =	vld [tilespmem:s23+$0x10410]  }
0x118: {  	v37 =	vld [tilespmem:s23+$0x10490]  }
0x119: {  	v38 =	vld [tilespmem:s23+$0x44B0]  }
0x11a: {  	v39 =	vld [tilespmem:s23+$0x4430]  }
0x11b: {  	v27 =	vmul.f32 v29, v27;
	v56 =	vmul.f32 v32, v30;
	v57 =	vld [tilespmem:s23+$0x10430]  }
0x11c: {  	v60 =	vld [tilespmem:s23+$0x104B0];
	v58 =	vmul.f32 v34, v33;
	v59 =	vmul.f32 v36, v35  }
0x11d: {  	v61 =	vld [tilespmem:s23+$0x10440];
	v26 =	vmul.f32 v28, v26;
	v62 =	vmul.f32 v37, v31  }
0x11e: {  	v41 =	vld [tilespmem:s23+$0x104C0];
	v63 =	vmul.f32 v58, v6;
	v40 =	vmul.f32 v59, v7  }
0x11f: {  	v42 =	vld [tilespmem:s23+$0x10450];
	v26 =	vmul.f32 v26, v6;
	v28 =	vmul.f32 v62, v7  }
0x120: {  	v43 =	vld [tilespmem:s23+$0x104D0];
	v29 =	vmul.f32 v56, v8;
	v30 =	vmul.f32 v57, v39;
	v31 =	vadd.f32 v40, v63  }
0x121: {  	v44 =	vld [tilespmem:s23+$0x10460];
	v27 =	vmul.f32 v27, v8;
	v45 =	vmul.f32 v60, v38;
	v26 =	vadd.f32 v28, v26  }
0x122: {  	v46 =	vld [tilespmem:s23+$0x104E0];
	v22 =	vmul.f32 v61, v22;
	v30 =	vmul.f32 v30, v9;
	v29 =	vadd.f32 v29, v31  }
0x123: {  	v47 =	vld [tilespmem:s23+$0x10470];
	v21 =	vmul.f32 v41, v21;
	v48 =	vmul.f32 v45, v9;
	v26 =	vadd.f32 v27, v26  }
0x124: {  	v50 =	vld [tilespmem:s23+$0x104F0];
	v20 =	vmul.f32 v42, v20;
	v22 =	vmul.f32 v22, v10;
	v49 =	vadd.f32 v30, v29  }
0x125: {  	v19 =	vmul.f32 v43, v19;
	v21 =	vmul.f32 v21, v10;
	v26 =	vadd.f32 v48, v26  }
0x126: {  	v18 =	vmul.f32 v44, v18;
	v20 =	vmul.f32 v20, v11;
	v22 =	vadd.f32 v22, v49  }
0x127: {  	v15 =	vmul.f32 v46, v15;
	v19 =	vmul.f32 v19, v11;
	v21 =	vadd.f32 v21, v26  }
0x128: {  	v16 =	vmul.f32 v47, v16;
	v18 =	vmul.f32 v18, v12;
	v20 =	vadd.f32 v20, v22  }
0x129: {  	v14 =	vmul.f32 v50, v14;
	v15 =	vmul.f32 v15, v12;
	v19 =	vadd.f32 v19, v21  }
0x12a: {  	v16 =	vmul.f32 v16, v13;
	v18 =	vadd.f32 v18, v20  }
0x12b: {  	v14 =	vmul.f32 v14, v13;
	v15 =	vadd.f32 v15, v19  }
0x12c: {  	v16 =	vadd.f32 v16, v18  }
0x12d: {  	v14 =	vadd.f32 v14, v15  }
0x12e: {  	v15 =	vperm.xlane v16, v0  }
0x12f: {  	v51 =	vperm.xlane v14, v0  }
0x130: {  	v15 =	vadd.f32 v16, v15  }
0x131: {  	v14 =	vadd.f32 v14, v51  }
0x132: {  	v16 =	vperm.xlane v15, v1  }
0x133: {  	v18 =	vperm.xlane v14, v1  }
0x134: {  	v52 =	vperm.xlane v23, v2;
	v15 =	vadd.f32 v15, v16  }
0x135: {  	v53 =	vadd.f32 v24, v25;
	v14 =	vadd.f32 v14, v18  }
0x136: {  	v54 =	vadd.f32 v23, v52;
	v55 =	vperm.xlane v15, v2  }
0x137: {  	v56 =	vperm.xlane v53, v3;
	v57 =	vperm.xlane v14, v2  }
0x138: {  	s6 =	sadd.s32 $0x1, s24;
	v23 =	vperm.xlane v54, v3;
	v58 =	vmov s24;
	v15 =	vadd.f32 v15, v55  }
0x139: {  	vm0 =	veq.s32 v58, v4;
	v59 =	vmov s6;
	v14 =	vadd.f32 v14, v57  }
0x13a: {  	s24 =	sshll.u32 s13, $0x4;
	s13 =	sadd.s32 $0x1, s13;
	v62 =	vmov s19;
	v16 =	vadd.f32 v53, v56;
	v60 =	vperm.xlane v15, v3  }
0x13b: {  	p0 =	sne.s32 s13, $0x8;
	vm1 =	veq.s32 v59, v4;
	v18 =	vadd.f32 v54, v23;
	v61 =	vperm.xlane v14, v3  }
.Ltmp3:
0x13c: {  	s23 =	sadd.s32 $0x1, s19;
	vm14 =	veq.s32 v62, v4;
	v16 =	vsel vm0, v16, v17;
	v15 =	vadd.f32 v15, v60;
	(pc) =	sbr.rel @p0 .LBB2_6-.Ltmp3, $4  }
0x13d: {  	v63 =	vmov s23;
	v16 =	vsel vm1, v18, v16;
	v14 =	vadd.f32 v14, v61  }
0x13e: {  	vm15 =	veq.s32 v63, v4;
	v15 =	vsel vm14, v15, v16  }
0x13f: {  	s6 =	sand.u32 $0x3FFFFFF0, s24;
	v14 =	vsel vm15, v14, v15  }
0x140: {  	s12 =	sadd.s32 $0x2000, s12;
	[tilespmem:s6+$0x18900] =	vst v14  }
0x141: {  	s12 =	simm.s32 $0x0;
	s6 =	simm.s32 $0x18900  }
0x142: {  	[hbm4b:s8+s12] =	stream.linear.scatter [tilespmem:s6], [sflag:$0x8], $0x80, $0x38;
	[tilespmem:$0x18A80] =	vst v63  }
0x143: {  	_ =	swait.ge [sflag:s25], $0x4000  }
0x144: {  	[sflag:s25] =	ssyncset.done $0x0  }
0x145: {  	[sflag:s25] =	ssyncadd.s32 $0xFFFFC000  }
0x146: {  	_ =	swait.ge [sflag:s26], $0x4000  }
0x147: {  	[sflag:s26] =	ssyncset.done $0x0  }
0x148: {  	s13 =	simm.s32 $0x0;
	[sflag:s26] =	ssyncadd.s32 $0xFFFFC000  }
.LBB2_10:
0x149: {  	s6 =	sshra.s32 s12, $0x2  }
0x14a: {  	v17 =	vld [tilespmem:s6+$0x84F0]  }
0x14b: {  	v19 =	vld [tilespmem:s6+$0x8470]  }
0x14c: {  	v18 =	vld [tilespmem:s6+$0x84E0]  }
0x14d: {  	v15 =	vld [tilespmem:s6+$0x8460]  }
0x14e: {  	v16 =	vld [tilespmem:s6+$0x84D0]  }
0x14f: {  	v14 =	vld [tilespmem:s6+$0x8450]  }
0x150: {  	v20 =	vld [tilespmem:s6+$0x84C0]  }
0x151: {  	v21 =	vld [tilespmem:s6+$0x8440]  }
0x152: {  	v22 =	vld [tilespmem:s6+$0x84A0]  }
0x153: {  	v23 =	vld [tilespmem:s6+$0x144A0]  }
0x154: {  	v24 =	vld [tilespmem:s6+$0x8420]  }
0x155: {  	v25 =	vld [tilespmem:s6+$0x14420]  }
0x156: {  	v26 =	vld [tilespmem:s6+$0x8480]  }
0x157: {  	v27 =	vld [tilespmem:s6+$0x14480]  }
0x158: {  	v28 =	vld [tilespmem:s6+$0x8490]  }
0x159: {  	v29 =	vld [tilespmem:s6+$0x8400]  }
0x15a: {  	v30 =	vld [tilespmem:s6+$0x14400]  }
0x15b: {  	v31 =	vld [tilespmem:s6+$0x8410]  }
0x15c: {  	v32 =	vld [tilespmem:s6+$0x14410]  }
0x15d: {  	v33 =	vld [tilespmem:s6+$0x14490]  }
0x15e: {  	v34 =	vld [tilespmem:s6+$0x84B0]  }
0x15f: {  	v35 =	vld [tilespmem:s6+$0x8430]  }
0x160: {  	v22 =	vmul.f32 v23, v22;
	v23 =	vmul.f32 v25, v24;
	v24 =	vld [tilespmem:s6+$0x14430]  }
0x161: {  	v25 =	vmul.f32 v30, v29;
	v29 =	vmul.f32 v32, v31;
	v30 =	vld [tilespmem:s6+$0x144B0]  }
0x162: {  	v31 =	vld [tilespmem:s6+$0x14440];
	v26 =	vmul.f32 v27, v26;
	v27 =	vmul.f32 v33, v28  }
0x163: {  	v25 =	vmul.f32 v25, v6;
	v28 =	vmul.f32 v29, v7;
	v29 =	vld [tilespmem:s6+$0x144C0]  }
0x164: {  	v62 =	vld [tilespmem:s6+$0x14450];
	v26 =	vmul.f32 v26, v6;
	v27 =	vmul.f32 v27, v7  }
0x165: {  	v23 =	vmul.f32 v23, v8;
	v25 =	vadd.f32 v28, v25;
	v28 =	vld [tilespmem:s6+$0x144D0];
	v24 =	vmul.f32 v24, v35  }
0x166: {  	v63 =	vld [tilespmem:s6+$0x14460];
	v22 =	vmul.f32 v22, v8;
	v26 =	vadd.f32 v27, v26;
	v27 =	vmul.f32 v30, v34  }
0x167: {  	v21 =	vmul.f32 v31, v21;
	v23 =	vadd.f32 v23, v25;
	v25 =	vld [tilespmem:s6+$0x144E0];
	v24 =	vmul.f32 v24, v9  }
0x168: {  	s11 =	sadd.s32 $0x400, s12;
	v30 =	vld [tilespmem:s6+$0x14470];
	v22 =	vadd.f32 v22, v26;
	v26 =	vmul.f32 v27, v9;
	v20 =	vmul.f32 v29, v20  }
0x169: {  	s23 =	sshra.s32 s11, $0x2;
	v21 =	vmul.f32 v21, v10;
	v27 =	vld [tilespmem:s6+$0x144F0];
	v23 =	vadd.f32 v24, v23;
	v24 =	vmul.f32 v62, v14  }
0x16a: {  	v32 =	vld [tilespmem:s23+$0x14420];
	v22 =	vadd.f32 v26, v22;
	v20 =	vmul.f32 v20, v10;
	v26 =	vmul.f32 v28, v16  }
0x16b: {  	v33 =	vld [tilespmem:s23+$0x8400];
	v21 =	vadd.f32 v21, v23;
	v23 =	vmul.f32 v24, v11;
	v24 =	vmul.f32 v63, v15  }
0x16c: {  	v31 =	vld [tilespmem:s23+$0x8490];
	v20 =	vadd.f32 v20, v22;
	v22 =	vmul.f32 v26, v11;
	v25 =	vmul.f32 v25, v18  }
0x16d: {  	v34 =	vld [tilespmem:s23+$0x14400];
	v21 =	vadd.f32 v23, v21;
	v23 =	vmul.f32 v24, v12;
	v24 =	vmul.f32 v30, v19  }
0x16e: {  	v35 =	vld [tilespmem:s23+$0x8410];
	v17 =	vmul.f32 v27, v17;
	v22 =	vadd.f32 v22, v20;
	v25 =	vmul.f32 v25, v12  }
0x16f: {  	v29 =	vld [tilespmem:s23+$0x144A0];
	v23 =	vadd.f32 v23, v21;
	v24 =	vmul.f32 v24, v13  }
0x170: {  	v14 =	vld [tilespmem:s23+$0x84F0];
	v17 =	vmul.f32 v17, v13;
	v25 =	vadd.f32 v25, v22  }
0x171: {  	v16 =	vld [tilespmem:s23+$0x8470];
	v23 =	vadd.f32 v24, v23  }
0x172: {  	v28 =	vld [tilespmem:s23+$0x14480];
	v17 =	vadd.f32 v17, v25  }
0x173: {  	v15 =	vld [tilespmem:s23+$0x84E0];
	v24 =	vperm.xlane v23, v0  }
0x174: {  	v18 =	vld [tilespmem:s23+$0x8460];
	v25 =	vperm.xlane v17, v0  }
0x175: {  	v26 =	vld [tilespmem:s23+$0x8480];
	v23 =	vadd.f32 v23, v24  }
0x176: {  	v27 =	vld [tilespmem:s23+$0x84A0];
	v17 =	vadd.f32 v17, v25  }
0x177: {  	v19 =	vld [tilespmem:s23+$0x84D0];
	v24 =	vperm.xlane v23, v1  }
0x178: {  	v20 =	vld [tilespmem:s23+$0x8450];
	v25 =	vperm.xlane v17, v1  }
0x179: {  	v30 =	vld [tilespmem:s23+$0x8420];
	v24 =	vadd.f32 v23, v24  }
0x17a: {  	v21 =	vld [tilespmem:s23+$0x84C0];
	v23 =	vadd.f32 v17, v25  }
0x17b: {  	s19 =	simm.s32 $0x2;
	s17 =	simm.s32 $0x4;
	s24 =	simm.s32 $0x0;
	v22 =	vld [tilespmem:s23+$0x8440];
	v17 =	vmov v5;
	v25 =	vperm.xlane v24, v2  }
.LBB2_11:
0x17c: {  	p0 =	slt.u32 s17, $0xE;
	v36 =	vld [tilespmem:s23+$0x14410];
	v37 =	vperm.xlane v23, v2  }
0x17d: {  	v38 =	vld [tilespmem:s23+$0x14490];
	v24 =	vadd.f32 v24, v25;
	v25 =	vmov s24  }
0x17e: {  	s6 =	sadd.s32 $0x1, s24;
	s24 =	smov.u32 s19;
	s19 =	smov.u32 s17;
	v39 =	vld [tilespmem:s23+$0x84B0];
	vm0 =	veq.s32 v25, v4;
	v23 =	vadd.f32 v23, v37  }
0x17f: {  	v27 =	vmul.f32 v29, v27;
	v37 =	vmov s6;
	v25 =	vld [tilespmem:s23+$0x8430];
	v29 =	vperm.xlane v24, v3  }
0x180: {  	v30 =	vmul.f32 v32, v30;
	vm1 =	veq.s32 v37, v4;
	v32 =	vld [tilespmem:s23+$0x14430];
	v40 =	vperm.xlane v23, v3  }
0x181: {  	v33 =	vmul.f32 v34, v33;
	v34 =	vmul.f32 v36, v35;
	v35 =	vld [tilespmem:s23+$0x144B0];
	v24 =	vadd.f32 v24, v29  }
0x182: {  	v26 =	vmul.f32 v28, v26;
	v29 =	vld [tilespmem:s23+$0x14440];
	v28 =	vmul.f32 v38, v31;
	v23 =	vadd.f32 v23, v40  }
0x183: {  	v31 =	vmul.f32 v33, v6;
	v33 =	vmul.f32 v34, v7;
	v34 =	vld [tilespmem:s23+$0x144C0];
	v17 =	vsel vm0, v24, v17  }
0x184: {  	v26 =	vmul.f32 v26, v6;
	v24 =	vld [tilespmem:s23+$0x14450];
	v28 =	vmul.f32 v28, v7;
	v17 =	vsel vm1, v23, v17  }
0x185: {  	v30 =	vmul.f32 v30, v8;
	v23 =	vadd.f32 v33, v31;
	v25 =	vmul.f32 v32, v25;
	v31 =	vld [tilespmem:s23+$0x144D0]  }
0x186: {  	v27 =	vmul.f32 v27, v8;
	v32 =	vld [tilespmem:s23+$0x14460];
	v26 =	vadd.f32 v28, v26;
	v28 =	vmul.f32 v35, v39  }
0x187: {  	v23 =	vadd.f32 v30, v23;
	v25 =	vmul.f32 v25, v9;
	v22 =	vmul.f32 v29, v22;
	v29 =	vld [tilespmem:s23+$0x144E0]  }
0x188: {  	s11 =	sadd.s32 $0x400, s11;
	v30 =	vld [tilespmem:s23+$0x14470];
	v26 =	vadd.f32 v27, v26;
	v27 =	vmul.f32 v28, v9;
	v21 =	vmul.f32 v34, v21  }
0x189: {  	v23 =	vadd.f32 v25, v23;
	v22 =	vmul.f32 v22, v10;
	v20 =	vmul.f32 v24, v20;
	v24 =	vld [tilespmem:s23+$0x144F0];
	s23 =	sshra.s32 s11, $0x2  }
0x18a: {  	v25 =	vld [tilespmem:s23+$0x84F0];
	v26 =	vadd.f32 v27, v26;
	v21 =	vmul.f32 v21, v10;
	v19 =	vmul.f32 v31, v19  }
0x18b: {  	v27 =	vld [tilespmem:s23+$0x8470];
	v22 =	vadd.f32 v22, v23;
	v20 =	vmul.f32 v20, v11;
	v23 =	vmul.f32 v32, v18  }
0x18c: {  	v21 =	vadd.f32 v21, v26;
	v26 =	vmul.f32 v19, v11;
	v28 =	vmul.f32 v29, v15;
	v15 =	vld [tilespmem:s23+$0x84E0]  }
0x18d: {  	v18 =	vld [tilespmem:s23+$0x8460];
	v22 =	vadd.f32 v20, v22;
	v23 =	vmul.f32 v23, v12;
	v30 =	vmul.f32 v30, v16  }
0x18e: {  	v19 =	vld [tilespmem:s23+$0x84D0];
	v26 =	vadd.f32 v26, v21;
	v28 =	vmul.f32 v28, v12;
	v24 =	vmul.f32 v24, v14  }
0x18f: {  	v20 =	vld [tilespmem:s23+$0x8450];
	v23 =	vadd.f32 v23, v22;
	v29 =	vmul.f32 v30, v13;
	v14 =	vmov v25  }
0x190: {  	v21 =	vld [tilespmem:s23+$0x84C0];
	v25 =	vadd.f32 v28, v26;
	v24 =	vmul.f32 v24, v13;
	v16 =	vmov v27  }
0x191: {  	v22 =	vld [tilespmem:s23+$0x8440];
	v23 =	vadd.f32 v29, v23  }
0x192: {  	v27 =	vld [tilespmem:s23+$0x84A0];
	v24 =	vadd.f32 v24, v25  }
0x193: {  	v29 =	vld [tilespmem:s23+$0x144A0];
	v25 =	vperm.xlane v23, v0  }
0x194: {  	v30 =	vld [tilespmem:s23+$0x8420];
	v28 =	vperm.xlane v24, v0  }
0x195: {  	v32 =	vld [tilespmem:s23+$0x14420];
	v23 =	vadd.f32 v23, v25  }
0x196: {  	v26 =	vld [tilespmem:s23+$0x8480];
	v25 =	vadd.f32 v24, v28  }
.Ltmp4:
0x197: {  	v28 =	vld [tilespmem:s23+$0x14480];
	v24 =	vperm.xlane v23, v1;
	(pc) =	sbr.rel @p0 .LBB2_11-.Ltmp4, $4  }
0x198: {  	v31 =	vld [tilespmem:s23+$0x8490];
	v35 =	vperm.xlane v25, v1  }
0x199: {  	v33 =	vld [tilespmem:s23+$0x8400];
	v24 =	vadd.f32 v23, v24  }
0x19a: {  	v34 =	vld [tilespmem:s23+$0x14400];
	v23 =	vadd.f32 v25, v35  }
0x19b: {  	s17 =	sadd.s32 $0x2, s17;
	v35 =	vld [tilespmem:s23+$0x8410];
	v25 =	vperm.xlane v24, v2  }
0x19c: {  	v36 =	vld [tilespmem:s23+$0x14410]  }
0x19d: {  	v37 =	vld [tilespmem:s23+$0x14490]  }
0x19e: {  	v38 =	vld [tilespmem:s23+$0x84B0]  }
0x19f: {  	v39 =	vld [tilespmem:s23+$0x8430]  }
0x1a0: {  	v27 =	vmul.f32 v29, v27;
	v56 =	vmul.f32 v32, v30;
	v57 =	vld [tilespmem:s23+$0x14430]  }
0x1a1: {  	v60 =	vld [tilespmem:s23+$0x144B0];
	v58 =	vmul.f32 v34, v33;
	v59 =	vmul.f32 v36, v35  }
0x1a2: {  	v61 =	vld [tilespmem:s23+$0x14440];
	v26 =	vmul.f32 v28, v26;
	v62 =	vmul.f32 v37, v31  }
0x1a3: {  	v41 =	vld [tilespmem:s23+$0x144C0];
	v63 =	vmul.f32 v58, v6;
	v40 =	vmul.f32 v59, v7  }
0x1a4: {  	v42 =	vld [tilespmem:s23+$0x14450];
	v26 =	vmul.f32 v26, v6;
	v28 =	vmul.f32 v62, v7  }
0x1a5: {  	v43 =	vld [tilespmem:s23+$0x144D0];
	v29 =	vmul.f32 v56, v8;
	v30 =	vmul.f32 v57, v39;
	v31 =	vadd.f32 v40, v63  }
0x1a6: {  	v44 =	vld [tilespmem:s23+$0x14460];
	v27 =	vmul.f32 v27, v8;
	v45 =	vmul.f32 v60, v38;
	v26 =	vadd.f32 v28, v26  }
0x1a7: {  	v46 =	vld [tilespmem:s23+$0x144E0];
	v22 =	vmul.f32 v61, v22;
	v30 =	vmul.f32 v30, v9;
	v29 =	vadd.f32 v29, v31  }
0x1a8: {  	v47 =	vld [tilespmem:s23+$0x14470];
	v21 =	vmul.f32 v41, v21;
	v48 =	vmul.f32 v45, v9;
	v26 =	vadd.f32 v27, v26  }
0x1a9: {  	v50 =	vld [tilespmem:s23+$0x144F0];
	v20 =	vmul.f32 v42, v20;
	v22 =	vmul.f32 v22, v10;
	v49 =	vadd.f32 v30, v29  }
0x1aa: {  	v19 =	vmul.f32 v43, v19;
	v21 =	vmul.f32 v21, v10;
	v26 =	vadd.f32 v48, v26  }
0x1ab: {  	v18 =	vmul.f32 v44, v18;
	v20 =	vmul.f32 v20, v11;
	v22 =	vadd.f32 v22, v49  }
0x1ac: {  	v15 =	vmul.f32 v46, v15;
	v19 =	vmul.f32 v19, v11;
	v21 =	vadd.f32 v21, v26  }
0x1ad: {  	v16 =	vmul.f32 v47, v16;
	v18 =	vmul.f32 v18, v12;
	v20 =	vadd.f32 v20, v22  }
0x1ae: {  	v14 =	vmul.f32 v50, v14;
	v15 =	vmul.f32 v15, v12;
	v19 =	vadd.f32 v19, v21  }
0x1af: {  	v16 =	vmul.f32 v16, v13;
	v18 =	vadd.f32 v18, v20  }
0x1b0: {  	v14 =	vmul.f32 v14, v13;
	v15 =	vadd.f32 v15, v19  }
0x1b1: {  	v16 =	vadd.f32 v16, v18  }
0x1b2: {  	v14 =	vadd.f32 v14, v15  }
0x1b3: {  	v15 =	vperm.xlane v16, v0  }
0x1b4: {  	v51 =	vperm.xlane v14, v0  }
0x1b5: {  	v15 =	vadd.f32 v16, v15  }
0x1b6: {  	v14 =	vadd.f32 v14, v51  }
0x1b7: {  	v16 =	vperm.xlane v15, v1  }
0x1b8: {  	v18 =	vperm.xlane v14, v1  }
0x1b9: {  	v52 =	vperm.xlane v23, v2;
	v15 =	vadd.f32 v15, v16  }
0x1ba: {  	v53 =	vadd.f32 v24, v25;
	v14 =	vadd.f32 v14, v18  }
0x1bb: {  	v54 =	vadd.f32 v23, v52;
	v55 =	vperm.xlane v15, v2  }
0x1bc: {  	v56 =	vperm.xlane v53, v3;
	v57 =	vperm.xlane v14, v2  }
0x1bd: {  	s6 =	sadd.s32 $0x1, s24;
	v23 =	vperm.xlane v54, v3;
	v58 =	vmov s24;
	v15 =	vadd.f32 v15, v55  }
0x1be: {  	vm0 =	veq.s32 v58, v4;
	v59 =	vmov s6;
	v14 =	vadd.f32 v14, v57  }
0x1bf: {  	s24 =	sshll.u32 s13, $0x4;
	s13 =	sadd.s32 $0x1, s13;
	v62 =	vmov s19;
	v16 =	vadd.f32 v53, v56;
	v60 =	vperm.xlane v15, v3  }
0x1c0: {  	p0 =	sne.s32 s13, $0x8;
	vm1 =	veq.s32 v59, v4;
	v18 =	vadd.f32 v54, v23;
	v61 =	vperm.xlane v14, v3  }
.Ltmp5:
0x1c1: {  	s23 =	sadd.s32 $0x1, s19;
	vm14 =	veq.s32 v62, v4;
	v16 =	vsel vm0, v16, v17;
	v15 =	vadd.f32 v15, v60;
	(pc) =	sbr.rel @p0 .LBB2_10-.Ltmp5, $4  }
0x1c2: {  	v63 =	vmov s23;
	v16 =	vsel vm1, v18, v16;
	v14 =	vadd.f32 v14, v61  }
0x1c3: {  	vm15 =	veq.s32 v63, v4;
	v15 =	vsel vm14, v15, v16  }
0x1c4: {  	s6 =	sand.u32 $0x3FFFFFF0, s24;
	v14 =	vsel vm15, v14, v15  }
0x1c5: {  	s12 =	sadd.s32 $0x2000, s12;
	[tilespmem:s6+$0x18980] =	vst v14  }
0x1c6: {  	s12 =	simm.s32 $0x0;
	s6 =	simm.s32 $0x18980  }
0x1c7: {  	[hbm4b:s9+s12] =	stream.linear.scatter [tilespmem:s6], [sflag:$0x9], $0x80, $0x38;
	[tilespmem:$0x18A80] =	vst v63  }
0x1c8: {  	_ =	swait.ge [sflag:s20], $0x4000  }
0x1c9: {  	[sflag:s20] =	ssyncset.done $0x0  }
0x1ca: {  	[sflag:s20] =	ssyncadd.s32 $0xFFFFC000  }
0x1cb: {  	_ =	swait.ge [sflag:s21], $0x4000  }
0x1cc: {  	[sflag:s21] =	ssyncset.done $0x0  }
0x1cd: {  	s13 =	simm.s32 $0xC480;
	s19 =	simm.s32 $0x480;
	[sflag:s21] =	ssyncadd.s32 $0xFFFFC000  }
.LBB2_14:
0x1ce: {  	v17 =	vld [tilespmem:s19+$0x70]  }
0x1cf: {  	v19 =	vld [tilespmem:s19+$0xFFFFFFF0]  }
0x1d0: {  	v18 =	vld [tilespmem:s19+$0x60]  }
0x1d1: {  	v15 =	vld [tilespmem:s19+$0xFFFFFFE0]  }
0x1d2: {  	v16 =	vld [tilespmem:s19+$0x50]  }
0x1d3: {  	v14 =	vld [tilespmem:s19+$0xFFFFFFD0]  }
0x1d4: {  	v20 =	vld [tilespmem:s19+$0x40]  }
0x1d5: {  	v21 =	vld [tilespmem:s19+$0xFFFFFFC0]  }
0x1d6: {  	v22 =	vld [tilespmem:s19+$0x20]  }
0x1d7: {  	v23 =	vld [tilespmem:s13+$0x20]  }
0x1d8: {  	v24 =	vld [tilespmem:s19+$0xFFFFFFA0]  }
0x1d9: {  	v25 =	vld [tilespmem:s13+$0xFFFFFFA0]  }
0x1da: {  	v26 =	vld [tilespmem:s19+$0x0]  }
0x1db: {  	v27 =	vld [tilespmem:s13+$0x0]  }
0x1dc: {  	v28 =	vld [tilespmem:s19+$0x10]  }
0x1dd: {  	v29 =	vld [tilespmem:s19+$0xFFFFFF80]  }
0x1de: {  	v30 =	vld [tilespmem:s13+$0xFFFFFF80]  }
0x1df: {  	v31 =	vld [tilespmem:s19+$0xFFFFFF90]  }
0x1e0: {  	v32 =	vld [tilespmem:s13+$0xFFFFFF90]  }
0x1e1: {  	v33 =	vld [tilespmem:s13+$0x10]  }
0x1e2: {  	v34 =	vld [tilespmem:s19+$0x30]  }
0x1e3: {  	v35 =	vld [tilespmem:s19+$0xFFFFFFB0]  }
0x1e4: {  	v22 =	vmul.f32 v23, v22;
	v23 =	vmul.f32 v25, v24;
	v24 =	vld [tilespmem:s13+$0xFFFFFFB0]  }
0x1e5: {  	v25 =	vmul.f32 v30, v29;
	v29 =	vmul.f32 v32, v31;
	v30 =	vld [tilespmem:s13+$0x30]  }
0x1e6: {  	v31 =	vld [tilespmem:s13+$0xFFFFFFC0];
	v26 =	vmul.f32 v27, v26;
	v27 =	vmul.f32 v33, v28  }
0x1e7: {  	v25 =	vmul.f32 v25, v6;
	v28 =	vmul.f32 v29, v7;
	v29 =	vld [tilespmem:s13+$0x40]  }
0x1e8: {  	v62 =	vld [tilespmem:s13+$0xFFFFFFD0];
	v26 =	vmul.f32 v26, v6;
	v27 =	vmul.f32 v27, v7  }
0x1e9: {  	v23 =	vmul.f32 v23, v8;
	v25 =	vadd.f32 v28, v25;
	v28 =	vld [tilespmem:s13+$0x50];
	v24 =	vmul.f32 v24, v35  }
0x1ea: {  	v63 =	vld [tilespmem:s13+$0xFFFFFFE0];
	v22 =	vmul.f32 v22, v8;
	v26 =	vadd.f32 v27, v26;
	v27 =	vmul.f32 v30, v34  }
0x1eb: {  	v21 =	vmul.f32 v31, v21;
	v23 =	vadd.f32 v23, v25;
	v25 =	vld [tilespmem:s13+$0x60];
	v24 =	vmul.f32 v24, v9  }
0x1ec: {  	v30 =	vld [tilespmem:s13+$0xFFFFFFF0];
	v22 =	vadd.f32 v22, v26;
	v26 =	vmul.f32 v27, v9;
	v20 =	vmul.f32 v29, v20  }
0x1ed: {  	s17 =	sadd.s32 $0x100, s19;
	v21 =	vmul.f32 v21, v10;
	v27 =	vld [tilespmem:s13+$0x70];
	v23 =	vadd.f32 v24, v23;
	v24 =	vmul.f32 v62, v14  }
0x1ee: {  	s11 =	sadd.s32 $0x100, s13;
	v36 =	vld [tilespmem:s17+$0xFFFFFF90];
	v22 =	vadd.f32 v26, v22;
	v20 =	vmul.f32 v20, v10;
	v26 =	vmul.f32 v28, v16  }
0x1ef: {  	v37 =	vld [tilespmem:s11+$0xFFFFFF90];
	v21 =	vadd.f32 v21, v23;
	v23 =	vmul.f32 v24, v11;
	v24 =	vmul.f32 v63, v15  }
0x1f0: {  	v33 =	vld [tilespmem:s11+$0xFFFFFFA0];
	v20 =	vadd.f32 v20, v22;
	v22 =	vmul.f32 v26, v11;
	v25 =	vmul.f32 v25, v18  }
0x1f1: {  	v32 =	vld [tilespmem:s17+$0x10];
	v21 =	vadd.f32 v23, v21;
	v23 =	vmul.f32 v24, v12;
	v24 =	vmul.f32 v30, v19  }
0x1f2: {  	v31 =	vld [tilespmem:s17+$0xFFFFFFA0];
	v17 =	vmul.f32 v27, v17;
	v22 =	vadd.f32 v22, v20;
	v25 =	vmul.f32 v25, v12  }
0x1f3: {  	v34 =	vld [tilespmem:s17+$0xFFFFFF80];
	v23 =	vadd.f32 v23, v21;
	v24 =	vmul.f32 v24, v13  }
0x1f4: {  	v35 =	vld [tilespmem:s11+$0xFFFFFF80];
	v17 =	vmul.f32 v17, v13;
	v25 =	vadd.f32 v25, v22  }
0x1f5: {  	v29 =	vld [tilespmem:s11+$0x0];
	v23 =	vadd.f32 v24, v23  }
0x1f6: {  	v14 =	vld [tilespmem:s17+$0x70];
	v17 =	vadd.f32 v17, v25  }
0x1f7: {  	v16 =	vld [tilespmem:s17+$0xFFFFFFF0];
	v24 =	vperm.xlane v23, v0  }
0x1f8: {  	v28 =	vld [tilespmem:s17+$0x0];
	v25 =	vperm.xlane v17, v0  }
0x1f9: {  	v15 =	vld [tilespmem:s17+$0x60];
	v23 =	vadd.f32 v23, v24  }
0x1fa: {  	v18 =	vld [tilespmem:s17+$0xFFFFFFE0];
	v17 =	vadd.f32 v17, v25  }
0x1fb: {  	v27 =	vld [tilespmem:s17+$0x20];
	v24 =	vperm.xlane v23, v1  }
0x1fc: {  	v19 =	vld [tilespmem:s17+$0x50];
	v25 =	vperm.xlane v17, v1  }
0x1fd: {  	v20 =	vld [tilespmem:s17+$0xFFFFFFD0];
	v24 =	vadd.f32 v23, v24  }
0x1fe: {  	v30 =	vld [tilespmem:s11+$0x20];
	v23 =	vadd.f32 v17, v25  }
0x1ff: {  	v21 =	vld [tilespmem:s17+$0x40];
	v25 =	vperm.xlane v24, v2  }
0x200: {  	s23 =	simm.s32 $0x2;
	s18 =	simm.s32 $0x4;
	s24 =	simm.s32 $0x0;
	v22 =	vld [tilespmem:s17+$0xFFFFFFC0];
	v17 =	vmov v5;
	v26 =	vperm.xlane v23, v2  }
.LBB2_15:
0x201: {  	p0 =	slt.u32 s18, $0xE;
	v38 =	vld [tilespmem:s11+$0x10];
	v24 =	vadd.f32 v24, v25;
	v25 =	vmov s24  }
0x202: {  	s6 =	sadd.s32 $0x1, s24;
	s24 =	smov.u32 s23;
	s23 =	smov.u32 s18;
	v39 =	vld [tilespmem:s17+$0x30];
	vm0 =	veq.s32 v25, v4;
	v23 =	vadd.f32 v23, v26  }
0x203: {  	v26 =	vmul.f32 v30, v27;
	v30 =	vmov s6;
	v25 =	vld [tilespmem:s17+$0xFFFFFFB0];
	v27 =	vperm.xlane v24, v3  }
0x204: {  	v31 =	vmul.f32 v33, v31;
	vm1 =	veq.s32 v30, v4;
	v33 =	vld [tilespmem:s11+$0xFFFFFFB0];
	v40 =	vperm.xlane v23, v3  }
0x205: {  	v30 =	vmul.f32 v35, v34;
	v34 =	vmul.f32 v37, v36;
	v35 =	vld [tilespmem:s11+$0x30];
	v24 =	vadd.f32 v24, v27  }
0x206: {  	v28 =	vmul.f32 v29, v28;
	v27 =	vld [tilespmem:s11+$0xFFFFFFC0];
	v29 =	vmul.f32 v38, v32;
	v23 =	vadd.f32 v23, v40  }
0x207: {  	v30 =	vmul.f32 v30, v6;
	v32 =	vmul.f32 v34, v7;
	v34 =	vld [tilespmem:s11+$0x40];
	v17 =	vsel vm0, v24, v17  }
0x208: {  	v28 =	vmul.f32 v28, v6;
	v24 =	vld [tilespmem:s11+$0xFFFFFFD0];
	v29 =	vmul.f32 v29, v7;
	v17 =	vsel vm1, v23, v17  }
0x209: {  	v23 =	vadd.f32 v32, v30;
	v30 =	vmul.f32 v31, v8;
	v25 =	vmul.f32 v33, v25;
	v31 =	vld [tilespmem:s11+$0x50]  }
0x20a: {  	v26 =	vmul.f32 v26, v8;
	v32 =	vld [tilespmem:s11+$0xFFFFFFE0];
	v28 =	vadd.f32 v29, v28;
	v29 =	vmul.f32 v35, v39  }
0x20b: {  	v23 =	vadd.f32 v30, v23;
	v25 =	vmul.f32 v25, v9;
	v22 =	vmul.f32 v27, v22;
	v27 =	vld [tilespmem:s11+$0x60]  }
0x20c: {  	v30 =	vld [tilespmem:s11+$0xFFFFFFF0];
	v26 =	vadd.f32 v26, v28;
	v28 =	vmul.f32 v29, v9;
	v21 =	vmul.f32 v34, v21  }
0x20d: {  	s17 =	sadd.s32 $0x100, s17;
	v23 =	vadd.f32 v25, v23;
	v22 =	vmul.f32 v22, v10;
	v20 =	vmul.f32 v24, v20;
	v24 =	vld [tilespmem:s11+$0x70]  }
0x20e: {  	v25 =	vld [tilespmem:s17+$0x70];
	v26 =	vadd.f32 v28, v26;
	v21 =	vmul.f32 v21, v10;
	v19 =	vmul.f32 v31, v19  }
0x20f: {  	v28 =	vld [tilespmem:s17+$0xFFFFFFF0];
	v22 =	vadd.f32 v22, v23;
	v20 =	vmul.f32 v20, v11;
	v23 =	vmul.f32 v32, v18  }
0x210: {  	v21 =	vadd.f32 v21, v26;
	v26 =	vmul.f32 v19, v11;
	v27 =	vmul.f32 v27, v15;
	v15 =	vld [tilespmem:s17+$0x60]  }
0x211: {  	v18 =	vld [tilespmem:s17+$0xFFFFFFE0];
	v22 =	vadd.f32 v20, v22;
	v23 =	vmul.f32 v23, v12;
	v30 =	vmul.f32 v30, v16  }
0x212: {  	v19 =	vld [tilespmem:s17+$0x50];
	v26 =	vadd.f32 v26, v21;
	v27 =	vmul.f32 v27, v12;
	v24 =	vmul.f32 v24, v14  }
0x213: {  	v20 =	vld [tilespmem:s17+$0xFFFFFFD0];
	v23 =	vadd.f32 v23, v22;
	v29 =	vmul.f32 v30, v13;
	v14 =	vmov v25  }
0x214: {  	v21 =	vld [tilespmem:s17+$0x40];
	v25 =	vadd.f32 v27, v26;
	v24 =	vmul.f32 v24, v13;
	v16 =	vmov v28  }
0x215: {  	v22 =	vld [tilespmem:s17+$0xFFFFFFC0];
	v23 =	vadd.f32 v29, v23  }
0x216: {  	s11 =	sadd.s32 $0x100, s11;
	v27 =	vld [tilespmem:s17+$0x20];
	v24 =	vadd.f32 v24, v25  }
0x217: {  	v30 =	vld [tilespmem:s11+$0x20];
	v25 =	vperm.xlane v23, v0  }
0x218: {  	v31 =	vld [tilespmem:s17+$0xFFFFFFA0];
	v26 =	vperm.xlane v24, v0  }
0x219: {  	v33 =	vld [tilespmem:s11+$0xFFFFFFA0];
	v23 =	vadd.f32 v23, v25  }
0x21a: {  	v28 =	vld [tilespmem:s17+$0x0];
	v25 =	vadd.f32 v24, v26  }
0x21b: {  	v29 =	vld [tilespmem:s11+$0x0];
	v24 =	vperm.xlane v23, v1  }
.Ltmp6:
0x21c: {  	v32 =	vld [tilespmem:s17+$0x10];
	v26 =	vperm.xlane v25, v1;
	(pc) =	sbr.rel @p0 .LBB2_15-.Ltmp6, $4  }
0x21d: {  	v34 =	vld [tilespmem:s17+$0xFFFFFF80];
	v24 =	vadd.f32 v23, v24  }
0x21e: {  	v35 =	vld [tilespmem:s11+$0xFFFFFF80];
	v23 =	vadd.f32 v25, v26  }
0x21f: {  	v36 =	vld [tilespmem:s17+$0xFFFFFF90];
	v25 =	vperm.xlane v24, v2  }
0x220: {  	s18 =	sadd.s32 $0x2, s18;
	v37 =	vld [tilespmem:s11+$0xFFFFFF90];
	v26 =	vperm.xlane v23, v2  }
0x221: {  	v38 =	vld [tilespmem:s11+$0x10]  }
0x222: {  	v39 =	vld [tilespmem:s17+$0x30]  }
0x223: {  	v40 =	vld [tilespmem:s17+$0xFFFFFFB0]  }
0x224: {  	v27 =	vmul.f32 v30, v27;
	v56 =	vmul.f32 v33, v31;
	v57 =	vld [tilespmem:s11+$0xFFFFFFB0]  }
0x225: {  	v60 =	vld [tilespmem:s11+$0x30];
	v58 =	vmul.f32 v35, v34;
	v59 =	vmul.f32 v37, v36  }
0x226: {  	v61 =	vld [tilespmem:s11+$0xFFFFFFC0];
	v28 =	vmul.f32 v29, v28;
	v62 =	vmul.f32 v38, v32  }
0x227: {  	v42 =	vld [tilespmem:s11+$0x40];
	v63 =	vmul.f32 v58, v6;
	v41 =	vmul.f32 v59, v7  }
0x228: {  	v43 =	vld [tilespmem:s11+$0xFFFFFFD0];
	v28 =	vmul.f32 v28, v6;
	v29 =	vmul.f32 v62, v7  }
0x229: {  	v44 =	vld [tilespmem:s11+$0x50];
	v30 =	vmul.f32 v56, v8;
	v31 =	vmul.f32 v57, v40;
	v32 =	vadd.f32 v41, v63  }
0x22a: {  	v45 =	vld [tilespmem:s11+$0xFFFFFFE0];
	v27 =	vmul.f32 v27, v8;
	v46 =	vmul.f32 v60, v39;
	v28 =	vadd.f32 v29, v28  }
0x22b: {  	v47 =	vld [tilespmem:s11+$0x60];
	v22 =	vmul.f32 v61, v22;
	v31 =	vmul.f32 v31, v9;
	v30 =	vadd.f32 v30, v32  }
0x22c: {  	v48 =	vld [tilespmem:s11+$0xFFFFFFF0];
	v21 =	vmul.f32 v42, v21;
	v49 =	vmul.f32 v46, v9;
	v27 =	vadd.f32 v27, v28  }
0x22d: {  	v51 =	vld [tilespmem:s11+$0x70];
	v20 =	vmul.f32 v43, v20;
	v22 =	vmul.f32 v22, v10;
	v50 =	vadd.f32 v31, v30  }
0x22e: {  	v19 =	vmul.f32 v44, v19;
	v21 =	vmul.f32 v21, v10;
	v27 =	vadd.f32 v49, v27  }
0x22f: {  	v18 =	vmul.f32 v45, v18;
	v20 =	vmul.f32 v20, v11;
	v22 =	vadd.f32 v22, v50  }
0x230: {  	v15 =	vmul.f32 v47, v15;
	v19 =	vmul.f32 v19, v11;
	v21 =	vadd.f32 v21, v27  }
0x231: {  	v16 =	vmul.f32 v48, v16;
	v18 =	vmul.f32 v18, v12;
	v20 =	vadd.f32 v20, v22  }
0x232: {  	v14 =	vmul.f32 v51, v14;
	v15 =	vmul.f32 v15, v12;
	v19 =	vadd.f32 v19, v21  }
0x233: {  	v16 =	vmul.f32 v16, v13;
	v18 =	vadd.f32 v18, v20  }
0x234: {  	v14 =	vmul.f32 v14, v13;
	v15 =	vadd.f32 v15, v19  }
0x235: {  	v16 =	vadd.f32 v16, v18  }
0x236: {  	v14 =	vadd.f32 v14, v15  }
0x237: {  	v15 =	vperm.xlane v16, v0  }
0x238: {  	v52 =	vperm.xlane v14, v0  }
0x239: {  	v15 =	vadd.f32 v16, v15  }
0x23a: {  	v14 =	vadd.f32 v14, v52  }
0x23b: {  	v16 =	vperm.xlane v15, v1  }
0x23c: {  	v18 =	vperm.xlane v14, v1  }
0x23d: {  	v15 =	vadd.f32 v15, v16  }
0x23e: {  	v53 =	vadd.f32 v24, v25;
	v14 =	vadd.f32 v14, v18  }
0x23f: {  	v54 =	vadd.f32 v23, v26;
	v55 =	vperm.xlane v15, v2  }
0x240: {  	v56 =	vperm.xlane v53, v3;
	v57 =	vperm.xlane v14, v2  }
0x241: {  	s6 =	sadd.s32 $0x1, s24;
	v23 =	vperm.xlane v54, v3;
	v58 =	vmov s24;
	v15 =	vadd.f32 v15, v55  }
0x242: {  	vm0 =	veq.s32 v58, v4;
	v59 =	vmov s6;
	v14 =	vadd.f32 v14, v57  }
0x243: {  	s24 =	sshll.u32 s12, $0x4;
	s12 =	sadd.s32 $0x1, s12;
	vm1 =	veq.s32 v59, v4;
	v16 =	vadd.f32 v53, v56;
	v60 =	vperm.xlane v15, v3  }
0x244: {  	p0 =	sne.s32 s12, $0x8;
	v62 =	vmov s23;
	v18 =	vadd.f32 v54, v23;
	v61 =	vperm.xlane v14, v3  }
.Ltmp7:
0x245: {  	s23 =	sadd.s32 $0x1, s23;
	vm14 =	veq.s32 v62, v4;
	v16 =	vsel vm0, v16, v17;
	v15 =	vadd.f32 v15, v60;
	(pc) =	sbr.rel @p0 .LBB2_14-.Ltmp7, $4  }
0x246: {  	v63 =	vmov s23;
	v16 =	vsel vm1, v18, v16;
	v14 =	vadd.f32 v14, v61  }
0x247: {  	vm15 =	veq.s32 v63, v4;
	v15 =	vsel vm14, v15, v16  }
0x248: {  	s6 =	sand.u32 $0x3FFFFFF0, s24;
	v14 =	vsel vm15, v14, v15  }
0x249: {  	s13 =	sadd.s32 $0x800, s13;
	s19 =	sadd.s32 $0x800, s19;
	[tilespmem:s6+$0x18A00] =	vst v14  }
0x24a: {  	s6 =	simm.s32 $0x18A00  }
0x24b: {  	[hbm4b:s10+s5] =	stream.linear.scatter [tilespmem:s6], [sflag:$0xA], $0x80, $0x38;
	[tilespmem:$0x18A80] =	vst v63  }
0x24c: {  	_ =	swait.ge [sflag:s28], $0x80  }
0x24d: {  	[sflag:s28] =	ssyncset.done $0x0  }
0x24e: {  	[sflag:s28] =	ssyncadd.s32 $0xFFFFFF80  }
0x24f: {  	_ =	swait.ge [sflag:s29], $0x80  }
0x250: {  	[sflag:s29] =	ssyncset.done $0x0  }
0x251: {  	s3 =	sadd.s32 $0x1, s3;
	[sflag:s29] =	ssyncadd.s32 $0xFFFFFF80  }
0x252: {  	p0 =	sne.s32 s3, s16;
	_ =	swait.ge [sflag:s30], $0x80  }
.Ltmp8:
0x253: {  	[sflag:s30] =	ssyncset.done $0x0;
	(pc) =	sbr.rel @p0 .LBB2_1-.Ltmp8, $4  }
0x254: {  	[sflag:s30] =	ssyncadd.s32 $0xFFFFFF80  }
0x255: {  	_ =	swait.ge [sflag:s31], $0x80  }
0x256: {  	[sflag:s31] =	ssyncset.done $0x0  }
0x257: {  	[sflag:s31] =	ssyncadd.s32 $0xFFFFFF80  }
0x258: {  	_ =	sfence.sel $0x180000  }
0x259: {  	[bflag:$0x0] =	sbarrier.arrive $0xFFFF  }
0x25a: {  	_ =	strace $0x90000047  }
0x25b: {  	s0 =	stileid.u32;
	[bflag:$0x2] =	sbarrier.arrive $0xFFFF  }
0x25c: {  	p0 =	sne.s32 s0, $0x0;
	s0 =	rddreg [dreg:$0x6]  }
0x25d: {  	s0 =	sadd.s32 @!p0 $0x100000, s0  }
0x25e: {  	[sflag:s0] =	ssyncadd.tile.s32 @!p0 $0x1;
	_ =	shalt  }
.Lfunc_end2:
_tile_overlayer_lowered:
.L_overlay_start_2:
0x25f: {  	(tag) =	ssettag $0x2  }
0x260: {  	s0 =	rddreg [dreg:$0x0];
	s2 =	stileid.u32  }
0x261: {  	s1 =	rddreg [dreg:$0x1];
	p0 =	sne.s32 s2, $0x0  }
0x262: {  	s3 =	rddreg [dreg:$0x2];
	[bflag:$0x3] =	sbarrier.arrive $0xFFFF;
	s2 =	simm.s32 @!p0 $0x1C0B  }
0x263: {  	[timem:s3], [sflag:s2] =	dma.local @!p0 [hbm:s0], s1  }
0x264: {  	s0 =	simm.s32 @!p0 $0xB  }
0x265: {  	_ =	swait.ge @!p0 [sflag:s0], s1  }
0x266: {  	s1 =	ssub.s32 @!p0 $0x0, s1;
	[sflag:s0] =	ssyncset.done @!p0 $0x0  }
0x267: {  	[sflag:s0] =	ssyncadd.s32 @!p0 s1  }
0x268: {  	[bflag:$0x3] =	sbarrier.arrive $0xFFFF  }
0x269: {  	_ =	shalt  }

</sc_bundles>
